<compile_context>
chip_gen: v7x
topology: tpu7x:2x2x1
jax: 0.10.2.dev20260603
libtpu: 0.0.44.dev20260713+nightly
codegen_flags: <defaults>
</compile_context>

<pallas_src>
import functools

import jax
import jax.numpy as jnp
from jax import lax
from jax.experimental import pallas as pl
from jax.experimental.pallas import tpu as pltpu
from jax.experimental.pallas import tpu_sc as plsc

_N = 10000
_E = 320000
_NC = 2
_NS = 16
_NW = _NC * _NS
_EPT = _E // _NW
_CH = 80
_NCHUNK = _EPT // _CH
_RZ = 1000
_NZT = _N // _RZ

_mesh = plsc.VectorSubcoreMesh(core_axis_name="c", subcore_axis_name="s")
_sc_params = pltpu.CompilerParams(use_tc_tiling_on_sc=False)


def _deg_body(dst_hbm, ones_hbm, zeros_hbm, out_hbm, didx, ones_v, acc):
  c = lax.axis_index("c")
  s = lax.axis_index("s")
  wid = c * _NS + s
  pltpu.sync_copy(dst_hbm.at[wid], didx)
  pltpu.sync_copy(ones_hbm, ones_v)

  @pl.when(s < _NZT)
  def _():
    pltpu.sync_copy(zeros_hbm, acc.at[pl.ds(s * _RZ, _RZ)])

  plsc.subcore_barrier()

  def body(j, carry):
    pltpu.sync_copy(ones_v, acc.at[didx.at[j]], add=True)
    return carry

  lax.fori_loop(0, _NCHUNK, body, 0)
  plsc.subcore_barrier()

  @pl.when(s < _NZT)
  def _():
    pltpu.sync_copy(acc.at[pl.ds(s * _RZ, _RZ)],
                    out_hbm.at[c, pl.ds(s * _RZ, _RZ)])


_sc_deg = functools.partial(
    pl.kernel,
    out_type=jax.ShapeDtypeStruct((_NC, _N, 1), jnp.float32),
    mesh=_mesh,
    compiler_params=_sc_params,
    scratch_types=[
        pltpu.VMEM((_NCHUNK, _CH), jnp.int32),
        pltpu.VMEM((_CH, 1), jnp.float32),
        pltpu.MemorySpace.VMEM_SHARED((_N, 1), jnp.float32),
    ],
)(_deg_body)


def _make_edge(d):

  def body(h_hbm, src_hbm, dst_hbm, zeros_hbm, out_hbm,
           sidx, didx, rows, acc, sem):
    c = lax.axis_index("c")
    s = lax.axis_index("s")
    wid = c * _NS + s
    pltpu.sync_copy(src_hbm.at[wid], sidx)
    pltpu.sync_copy(dst_hbm.at[wid], didx)

    @pl.when(s < _NZT)
    def _():
      pltpu.sync_copy(zeros_hbm, acc.at[pl.ds(s * _RZ, _RZ)])

    plsc.subcore_barrier()

    def step(j, carry):
      pltpu.async_copy(h_hbm.at[sidx.at[j]], rows, sem).wait()
      pltpu.sync_copy(rows, acc.at[didx.at[j]], add=True)
      return carry

    lax.fori_loop(0, _NCHUNK, step, 0)
    plsc.subcore_barrier()

    @pl.when(s < _NZT)
    def _():
      pltpu.sync_copy(acc.at[pl.ds(s * _RZ, _RZ)],
                      out_hbm.at[c, pl.ds(s * _RZ, _RZ)])

  return functools.partial(
      pl.kernel,
      out_type=jax.ShapeDtypeStruct((_NC, _N, d), jnp.float32),
      mesh=_mesh,
      compiler_params=_sc_params,
      scratch_types=[
          pltpu.VMEM((_NCHUNK, _CH), jnp.int32),
          pltpu.VMEM((_NCHUNK, _CH), jnp.int32),
          pltpu.VMEM((_CH, d), jnp.float32),
          pltpu.MemorySpace.VMEM_SHARED((_N, d), jnp.float32),
          pltpu.SemaphoreType.DMA,
      ],
  )(body)


_sc_edge64 = _make_edge(64)
_sc_edge32 = _make_edge(32)


def _tc1_body(degp_ref, x_ref, w1_ref, dis_ref, h1s_ref):
  deg = degp_ref[0] + degp_ref[1] + 1.0
  dis = lax.rsqrt(deg)
  dis_ref[...] = dis
  h = jnp.dot(x_ref[...], w1_ref[...], preferred_element_type=jnp.float32)
  h1s_ref[...] = h * dis


_tc1 = pl.pallas_call(
    _tc1_body,
    out_shape=[
        jax.ShapeDtypeStruct((_N, 1), jnp.float32),
        jax.ShapeDtypeStruct((_N, 64), jnp.float32),
    ],
)


def _tc2_body(acc_ref, h1s_ref, dis_ref, b1_ref, w2_ref, h2s_ref):
  dis = dis_ref[...]
  z = dis * (acc_ref[0] + acc_ref[1] + h1s_ref[...]) + b1_ref[...]
  z = jnp.maximum(z, 0.0)
  h2 = jnp.dot(z, w2_ref[...], preferred_element_type=jnp.float32)
  h2s_ref[...] = h2 * dis


_tc2 = pl.pallas_call(
    _tc2_body,
    out_shape=jax.ShapeDtypeStruct((_N, 32), jnp.float32),
)


def _tc3_body(acc_ref, h2s_ref, dis_ref, b2_ref, out_ref):
  out_ref[...] = (dis_ref[...] * (acc_ref[0] + acc_ref[1] + h2s_ref[...])
                  + b2_ref[...])


_tc3 = pl.pallas_call(
    _tc3_body,
    out_shape=jax.ShapeDtypeStruct((_N, 32), jnp.float32),
)


@jax.jit
def kernel(x, edge_index, W1, b1, W2, b2):
  src = edge_index[0].reshape(_NW, _NCHUNK, _CH)
  dst = edge_index[1].reshape(_NW, _NCHUNK, _CH)
  ones = jnp.ones((_CH, 1), jnp.float32)
  z1 = jnp.zeros((_RZ, 1), jnp.float32)
  z64 = jnp.zeros((_RZ, 64), jnp.float32)
  z32 = jnp.zeros((_RZ, 32), jnp.float32)

  degp = _sc_deg(dst, ones, z1)
  dis, h1s = _tc1(degp, x, W1)
  acc1 = _sc_edge64(h1s, src, dst, z64)
  h2s = _tc2(acc1, h1s, dis, b1.reshape(1, 64), W2)
  acc2 = _sc_edge32(h2s, src, dst, z32)
  return _tc3(acc2, h2s, dis, b2.reshape(1, 32))

# --- scband reference (transcript-rebuilt; emitter-appended) ---
"""Pipeline reference for scband-link-predictor-82952998355939 (READ-ONLY COPY).

The authoritative reference and input builder live on the scoring server;
editing this copy changes nothing except your own understanding.
"""

import jax, jax.numpy as jnp
import numpy as np

N = 10000
E = 320000
D_IN, D_H, D_OUT = 128, 64, 32


def setup_inputs(seed: int = 0) -> dict:
    key = jax.random.key(seed)
    k1, k2, k3, k4, k5, k6 = jax.random.split(key, 6)
    x = jax.random.normal(k1, (N, D_IN), dtype=jnp.float32)
    edge_index = jax.random.randint(k2, (2, E), 0, N, dtype=jnp.int32)
    # GCNConv layer 1: input_dim -> hidden_dim
    W1 = jax.random.normal(k3, (D_IN, D_H), dtype=jnp.float32) * (1.0 / np.sqrt(D_IN))
    b1 = jnp.zeros((D_H,), dtype=jnp.float32)
    # GCNConv layer 2: hidden_dim -> output_dim
    W2 = jax.random.normal(k4, (D_H, D_OUT), dtype=jnp.float32) * (1.0 / np.sqrt(D_H))
    b2 = jnp.zeros((D_OUT,), dtype=jnp.float32)
    return {"x": x, "edge_index": edge_index, "W1": W1, "b1": b1, "W2": W2, "b2": b2}


def _gcn_conv(x, edge_index, W, b):
    # Faithful GCNConv: add self-loops, symmetric normalization D^-1/2 (A+I) D^-1/2 x W + b
    num_nodes = x.shape[0]
    loop = jnp.arange(num_nodes, dtype=edge_index.dtype)
    src = jnp.concatenate([edge_index[0], loop])
    dst = jnp.concatenate([edge_index[1], loop])
    deg = jnp.zeros((num_nodes,), dtype=x.dtype).at[dst].add(1.0)
    deg_inv_sqrt = jnp.where(deg > 0, jax.lax.rsqrt(jnp.maximum(deg, 1e-12)), 0.0)
    norm = deg_inv_sqrt[src] * deg_inv_sqrt[dst]
    h = x @ W
    msg = h[src] * norm[:, None]
    out = jnp.zeros((num_nodes, h.shape[1]), dtype=h.dtype).at[dst].add(msg)
    return out + b


def reference(x, edge_index, W1, b1, W2, b2):
    # Layer 1 + ReLU (dropout is identity in eval mode)
    h = _gcn_conv(x, edge_index, W1, b1)
    h = jax.nn.relu(h)
    # Layer 2 (final layer, no activation)
    out = _gcn_conv(h, edge_index, W2, b2)
    return out

if __name__ == "__main__":
    import jax
    _d = setup_inputs()
    print(jax.jit(kernel)(*tuple(_d.values())))

</pallas_src>

<mosaic_0001>
#map = affine_map<(d0, d1) -> (0, 0)>
#map1 = affine_map<(d0, d1) -> (0, 0, 0)>
module attributes {stable_mosaic.version = 14 : i64} {
  func.func @body(%arg0: i32, %arg1: i32, %arg2: memref<10000x64xf32, #tpu.memory_space<hbm>>, %arg3: memref<32x125x80xi32, #tpu.memory_space<hbm>>, %arg4: memref<32x125x80xi32, #tpu.memory_space<hbm>>, %arg5: memref<1000x64xf32, #tpu.memory_space<hbm>>, %arg6: memref<2x10000x64xf32, #tpu.memory_space<hbm>>, %arg7: memref<125x80xi32, #tpu.memory_space<vmem>>, %arg8: memref<125x80xi32, #tpu.memory_space<vmem>>, %arg9: memref<80x64xf32, #tpu.memory_space<vmem>>, %arg10: memref<10000x64xf32, #tpu.memory_space<vmem_shared>>, %arg11: memref<!tpu.dma_semaphore, #tpu.memory_space<semaphore_mem>>) attributes {dimension_semantics = [#tpu.dimension_semantics<core_parallel>, #tpu.dimension_semantics<subcore_parallel>], iteration_bounds = array<i64: 2, 16>, scalar_prefetch = 0 : i64, scratch_operands = 5 : i64, tpu.core_type = #tpu.core_type<sc_vector_subcore>, window_params = [{transform_indices = #map}, {transform_indices = #map1}, {transform_indices = #map1}, {transform_indices = #map}, {transform_indices = #map1}]} {
    %mul3A = arith.constant 16 : i32
    %mul3A_0 = arith.muli %arg0, %mul3A : i32
    %add3A = arith.addi %mul3A_0, %arg1 : i32
    "tpu.region"() ({
      %run_scoped3A = tpu.sem_alloc : memref<!tpu.dma_semaphore, #tpu.memory_space<semaphore_mem>>
      %dma_start3A = arith.constant 0 : i32
      %dma_start3A_14 = arith.constant 0 : i32
      %dma_start3A_15 = tpu.memref_slice %arg3[%add3A, %dma_start3A, %dma_start3A_14] : memref<32x125x80xi32, #tpu.memory_space<hbm>> -> memref<1x125x80xi32, #tpu.memory_space<hbm>>
      %dma_start3A_16 = tpu.memref_squeeze %dma_start3A_15 : memref<1x125x80xi32, #tpu.memory_space<hbm>> -> memref<125x80xi32, #tpu.memory_space<hbm>>
      %dma_start3A_17 = arith.constant 0 : i32
      %dma_start3A_18 = arith.constant 0 : i32
      %dma_start3A_19 = tpu.memref_slice %arg3[%add3A, %dma_start3A_17, %dma_start3A_18] : memref<32x125x80xi32, #tpu.memory_space<hbm>> -> memref<1x125x80xi32, #tpu.memory_space<hbm>>
      %dma_start3A_20 = tpu.memref_squeeze %dma_start3A_19 : memref<1x125x80xi32, #tpu.memory_space<hbm>> -> memref<125x80xi32, #tpu.memory_space<hbm>>
      tpu.enqueue_dma source(%dma_start3A_20 : memref<125x80xi32, #tpu.memory_space<hbm>>) target(%arg7 : memref<125x80xi32, #tpu.memory_space<vmem>>) target_semaphore(%run_scoped3A : memref<!tpu.dma_semaphore, #tpu.memory_space<semaphore_mem>>)
      %dma_wait3A = arith.constant 0 : i32
      %dma_wait3A_21 = arith.constant 0 : i32
      %dma_wait3A_22 = tpu.memref_slice %arg3[%add3A, %dma_wait3A, %dma_wait3A_21] : memref<32x125x80xi32, #tpu.memory_space<hbm>> -> memref<1x125x80xi32, #tpu.memory_space<hbm>>
      %dma_wait3A_23 = tpu.memref_squeeze %dma_wait3A_22 : memref<1x125x80xi32, #tpu.memory_space<hbm>> -> memref<125x80xi32, #tpu.memory_space<hbm>>
      %dma_wait3A_24 = arith.constant 0 : i32
      %dma_wait3A_25 = arith.constant 0 : i32
      %dma_wait3A_26 = tpu.memref_slice %arg3[%add3A, %dma_wait3A_24, %dma_wait3A_25] : memref<32x125x80xi32, #tpu.memory_space<hbm>> -> memref<1x125x80xi32, #tpu.memory_space<hbm>>
      %dma_wait3A_27 = tpu.memref_squeeze %dma_wait3A_26 : memref<1x125x80xi32, #tpu.memory_space<hbm>> -> memref<125x80xi32, #tpu.memory_space<hbm>>
      tpu.wait_dma2 semaphore(%run_scoped3A : memref<!tpu.dma_semaphore, #tpu.memory_space<semaphore_mem>>) src(%dma_wait3A_27 : memref<125x80xi32, #tpu.memory_space<hbm>>) dst(%arg7 : memref<125x80xi32, #tpu.memory_space<vmem>>)
      tpu.yield
    }) : () -> ()
    "tpu.region"() ({
      %run_scoped3A = tpu.sem_alloc : memref<!tpu.dma_semaphore, #tpu.memory_space<semaphore_mem>>
      %dma_start3A = arith.constant 0 : i32
      %dma_start3A_14 = arith.constant 0 : i32
      %dma_start3A_15 = tpu.memref_slice %arg4[%add3A, %dma_start3A, %dma_start3A_14] : memref<32x125x80xi32, #tpu.memory_space<hbm>> -> memref<1x125x80xi32, #tpu.memory_space<hbm>>
      %dma_start3A_16 = tpu.memref_squeeze %dma_start3A_15 : memref<1x125x80xi32, #tpu.memory_space<hbm>> -> memref<125x80xi32, #tpu.memory_space<hbm>>
      %dma_start3A_17 = arith.constant 0 : i32
      %dma_start3A_18 = arith.constant 0 : i32
      %dma_start3A_19 = tpu.memref_slice %arg4[%add3A, %dma_start3A_17, %dma_start3A_18] : memref<32x125x80xi32, #tpu.memory_space<hbm>> -> memref<1x125x80xi32, #tpu.memory_space<hbm>>
      %dma_start3A_20 = tpu.memref_squeeze %dma_start3A_19 : memref<1x125x80xi32, #tpu.memory_space<hbm>> -> memref<125x80xi32, #tpu.memory_space<hbm>>
      tpu.enqueue_dma source(%dma_start3A_20 : memref<125x80xi32, #tpu.memory_space<hbm>>) target(%arg8 : memref<125x80xi32, #tpu.memory_space<vmem>>) target_semaphore(%run_scoped3A : memref<!tpu.dma_semaphore, #tpu.memory_space<semaphore_mem>>)
      %dma_wait3A = arith.constant 0 : i32
      %dma_wait3A_21 = arith.constant 0 : i32
      %dma_wait3A_22 = tpu.memref_slice %arg4[%add3A, %dma_wait3A, %dma_wait3A_21] : memref<32x125x80xi32, #tpu.memory_space<hbm>> -> memref<1x125x80xi32, #tpu.memory_space<hbm>>
      %dma_wait3A_23 = tpu.memref_squeeze %dma_wait3A_22 : memref<1x125x80xi32, #tpu.memory_space<hbm>> -> memref<125x80xi32, #tpu.memory_space<hbm>>
      %dma_wait3A_24 = arith.constant 0 : i32
      %dma_wait3A_25 = arith.constant 0 : i32
      %dma_wait3A_26 = tpu.memref_slice %arg4[%add3A, %dma_wait3A_24, %dma_wait3A_25] : memref<32x125x80xi32, #tpu.memory_space<hbm>> -> memref<1x125x80xi32, #tpu.memory_space<hbm>>
      %dma_wait3A_27 = tpu.memref_squeeze %dma_wait3A_26 : memref<1x125x80xi32, #tpu.memory_space<hbm>> -> memref<125x80xi32, #tpu.memory_space<hbm>>
      tpu.wait_dma2 semaphore(%run_scoped3A : memref<!tpu.dma_semaphore, #tpu.memory_space<semaphore_mem>>) src(%dma_wait3A_27 : memref<125x80xi32, #tpu.memory_space<hbm>>) dst(%arg8 : memref<125x80xi32, #tpu.memory_space<vmem>>)
      tpu.yield
    }) : () -> ()
    %lt3A = arith.constant 10 : i32
    %lt3A_1 = arith.cmpi slt, %arg1, %lt3A : i32
    %convert_element_type3A = arith.extui %lt3A_1 : i1 to i32
    %cond3A = arith.constant 0 : i32
    %cond3A_2 = arith.cmpi ne, %convert_element_type3A, %cond3A : i32
    scf.if %cond3A_2 {
      %mul3A_14 = arith.constant 1000 : i32
      %mul3A_15 = arith.muli %arg1, %mul3A_14 : i32
      "tpu.region"() ({
        %run_scoped3A = tpu.sem_alloc : memref<!tpu.dma_semaphore, #tpu.memory_space<semaphore_mem>>
        %dma_start3A = arith.constant 0 : i32
        %dma_start3A_16 = tpu.memref_slice %arg10[%mul3A_15, %dma_start3A] : memref<10000x64xf32, #tpu.memory_space<vmem_shared>> -> memref<1000x64xf32, #tpu.memory_space<vmem_shared>>
        tpu.enqueue_dma source(%arg5 : memref<1000x64xf32, #tpu.memory_space<hbm>>) target(%dma_start3A_16 : memref<1000x64xf32, #tpu.memory_space<vmem_shared>>) target_semaphore(%run_scoped3A : memref<!tpu.dma_semaphore, #tpu.memory_space<semaphore_mem>>)
        %dma_wait3A = arith.constant 0 : i32
        %dma_wait3A_17 = tpu.memref_slice %arg10[%mul3A_15, %dma_wait3A] : memref<10000x64xf32, #tpu.memory_space<vmem_shared>> -> memref<1000x64xf32, #tpu.memory_space<vmem_shared>>
        tpu.wait_dma2 semaphore(%run_scoped3A : memref<!tpu.dma_semaphore, #tpu.memory_space<semaphore_mem>>) src(%arg5 : memref<1000x64xf32, #tpu.memory_space<hbm>>) dst(%dma_wait3A_17 : memref<1000x64xf32, #tpu.memory_space<vmem_shared>>)
        tpu.yield
      }) : () -> ()
    } else {
    }
    %barrier3A = arith.constant 0 : index
    tpu.barrier barrier_id(%barrier3A)
    %scan3A = arith.constant 0 : i32
    %scan3A_3 = arith.constant 0 : i32
    %scan3A_4 = arith.constant 125 : i32
    %scan3A_5 = arith.addi %scan3A_3, %scan3A_4 : i32
    %scan3A_6 = arith.constant 1 : i32
    scf.for %scan3A_14 = %scan3A_3 to %scan3A_5 step %scan3A_6  : i32 {
      %dma_start3A = arith.constant 0 : i32
      %dma_start3A_15 = tpu.memref_slice %arg7[%scan3A_14, %dma_start3A] : memref<125x80xi32, #tpu.memory_space<vmem>> -> memref<1x80xi32, #tpu.memory_space<vmem>>
      %dma_start3A_16 = tpu.memref_squeeze %dma_start3A_15 : memref<1x80xi32, #tpu.memory_space<vmem>> -> memref<80xi32, #tpu.memory_space<vmem>>
      %dma_start3A_17 = arith.constant 0 : i32
      %dma_start3A_18 = arith.constant 0 : i32
      %dma_start3A_19 = tpu.memref_slice %arg2[%dma_start3A_17, %dma_start3A_18] : memref<10000x64xf32, #tpu.memory_space<hbm>> -> memref<10000x64xf32, #tpu.memory_space<hbm>>
      tpu.enqueue_indirect_dma source(%dma_start3A_19 : memref<10000x64xf32, #tpu.memory_space<hbm>>) target(%arg9 : memref<80x64xf32, #tpu.memory_space<vmem>>) offsets(%dma_start3A_16 : memref<80xi32, #tpu.memory_space<vmem>>) semaphore(%arg11 : memref<!tpu.dma_semaphore, #tpu.memory_space<semaphore_mem>>)
      %dma_wait3A = arith.constant 0 : i32
      %dma_wait3A_20 = tpu.memref_slice %arg7[%scan3A_14, %dma_wait3A] : memref<125x80xi32, #tpu.memory_space<vmem>> -> memref<1x80xi32, #tpu.memory_space<vmem>>
      %dma_wait3A_21 = tpu.memref_squeeze %dma_wait3A_20 : memref<1x80xi32, #tpu.memory_space<vmem>> -> memref<80xi32, #tpu.memory_space<vmem>>
      %dma_wait3A_22 = arith.constant 0 : i32
      %dma_wait3A_23 = arith.constant 0 : i32
      %dma_wait3A_24 = tpu.memref_slice %arg2[%dma_wait3A_22, %dma_wait3A_23] : memref<10000x64xf32, #tpu.memory_space<hbm>> -> memref<10000x64xf32, #tpu.memory_space<hbm>>
      tpu.wait_indirect_dma semaphore(%arg11 : memref<!tpu.dma_semaphore, #tpu.memory_space<semaphore_mem>>) src(%dma_wait3A_24 : memref<10000x64xf32, #tpu.memory_space<hbm>>) dst(%arg9 : memref<80x64xf32, #tpu.memory_space<vmem>>)
      "tpu.region"() ({
        %run_scoped3A = tpu.sem_alloc : memref<!tpu.dma_semaphore, #tpu.memory_space<semaphore_mem>>
        %dma_start3A_25 = arith.constant 0 : i32
        %dma_start3A_26 = tpu.memref_slice %arg8[%scan3A_14, %dma_start3A_25] : memref<125x80xi32, #tpu.memory_space<vmem>> -> memref<1x80xi32, #tpu.memory_space<vmem>>
        %dma_start3A_27 = tpu.memref_squeeze %dma_start3A_26 : memref<1x80xi32, #tpu.memory_space<vmem>> -> memref<80xi32, #tpu.memory_space<vmem>>
        %dma_start3A_28 = arith.constant 0 : i32
        %dma_start3A_29 = arith.constant 0 : i32
        %dma_start3A_30 = tpu.memref_slice %arg10[%dma_start3A_28, %dma_start3A_29] : memref<10000x64xf32, #tpu.memory_space<vmem_shared>> -> memref<10000x64xf32, #tpu.memory_space<vmem_shared>>
        tpu.enqueue_indirect_dma source(%arg9 : memref<80x64xf32, #tpu.memory_space<vmem>>) target(%dma_start3A_30 : memref<10000x64xf32, #tpu.memory_space<vmem_shared>>) offsets(%dma_start3A_27 : memref<80xi32, #tpu.memory_space<vmem>>) semaphore(%run_scoped3A : memref<!tpu.dma_semaphore, #tpu.memory_space<semaphore_mem>>) {add = true}
        %dma_wait3A_31 = arith.constant 0 : i32
        %dma_wait3A_32 = tpu.memref_slice %arg8[%scan3A_14, %dma_wait3A_31] : memref<125x80xi32, #tpu.memory_space<vmem>> -> memref<1x80xi32, #tpu.memory_space<vmem>>
        %dma_wait3A_33 = tpu.memref_squeeze %dma_wait3A_32 : memref<1x80xi32, #tpu.memory_space<vmem>> -> memref<80xi32, #tpu.memory_space<vmem>>
        %dma_wait3A_34 = arith.constant 0 : i32
        %dma_wait3A_35 = arith.constant 0 : i32
        %dma_wait3A_36 = tpu.memref_slice %arg10[%dma_wait3A_34, %dma_wait3A_35] : memref<10000x64xf32, #tpu.memory_space<vmem_shared>> -> memref<10000x64xf32, #tpu.memory_space<vmem_shared>>
        tpu.wait_indirect_dma semaphore(%run_scoped3A : memref<!tpu.dma_semaphore, #tpu.memory_space<semaphore_mem>>) src(%arg9 : memref<80x64xf32, #tpu.memory_space<vmem>>) dst(%dma_wait3A_36 : memref<10000x64xf32, #tpu.memory_space<vmem_shared>>)
        tpu.yield
      }) : () -> ()
    }
    %scan3A_7 = arith.constant 125 : i32
    %barrier3A_8 = arith.constant 0 : index
    tpu.barrier barrier_id(%barrier3A_8)
    %lt3A_9 = arith.constant 10 : i32
    %lt3A_10 = arith.cmpi slt, %arg1, %lt3A_9 : i32
    %convert_element_type3A_11 = arith.extui %lt3A_10 : i1 to i32
    %cond3A_12 = arith.constant 0 : i32
    %cond3A_13 = arith.cmpi ne, %convert_element_type3A_11, %cond3A_12 : i32
    scf.if %cond3A_13 {
      %mul3A_14 = arith.constant 1000 : i32
      %mul3A_15 = arith.muli %arg1, %mul3A_14 : i32
      %mul3A_16 = arith.constant 1000 : i32
      %mul3A_17 = arith.muli %arg1, %mul3A_16 : i32
      "tpu.region"() ({
        %run_scoped3A = tpu.sem_alloc : memref<!tpu.dma_semaphore, #tpu.memory_space<semaphore_mem>>
        %dma_start3A = arith.constant 0 : i32
        %dma_start3A_18 = tpu.memref_slice %arg6[%arg0, %mul3A_17, %dma_start3A] : memref<2x10000x64xf32, #tpu.memory_space<hbm>> -> memref<1x1000x64xf32, #tpu.memory_space<hbm>>
        %dma_start3A_19 = tpu.memref_squeeze %dma_start3A_18 : memref<1x1000x64xf32, #tpu.memory_space<hbm>> -> memref<1000x64xf32, #tpu.memory_space<hbm>>
        %dma_start3A_20 = arith.constant 0 : i32
        %dma_start3A_21 = tpu.memref_slice %arg10[%mul3A_15, %dma_start3A_20] : memref<10000x64xf32, #tpu.memory_space<vmem_shared>> -> memref<1000x64xf32, #tpu.memory_space<vmem_shared>>
        tpu.enqueue_dma source(%dma_start3A_21 : memref<1000x64xf32, #tpu.memory_space<vmem_shared>>) target(%dma_start3A_19 : memref<1000x64xf32, #tpu.memory_space<hbm>>) target_semaphore(%run_scoped3A : memref<!tpu.dma_semaphore, #tpu.memory_space<semaphore_mem>>)
        %dma_wait3A = arith.constant 0 : i32
        %dma_wait3A_22 = tpu.memref_slice %arg6[%arg0, %mul3A_17, %dma_wait3A] : memref<2x10000x64xf32, #tpu.memory_space<hbm>> -> memref<1x1000x64xf32, #tpu.memory_space<hbm>>
        %dma_wait3A_23 = tpu.memref_squeeze %dma_wait3A_22 : memref<1x1000x64xf32, #tpu.memory_space<hbm>> -> memref<1000x64xf32, #tpu.memory_space<hbm>>
        %dma_wait3A_24 = arith.constant 0 : i32
        %dma_wait3A_25 = tpu.memref_slice %arg10[%mul3A_15, %dma_wait3A_24] : memref<10000x64xf32, #tpu.memory_space<vmem_shared>> -> memref<1000x64xf32, #tpu.memory_space<vmem_shared>>
        tpu.wait_dma2 semaphore(%run_scoped3A : memref<!tpu.dma_semaphore, #tpu.memory_space<semaphore_mem>>) src(%dma_wait3A_25 : memref<1000x64xf32, #tpu.memory_space<vmem_shared>>) dst(%dma_wait3A_23 : memref<1000x64xf32, #tpu.memory_space<hbm>>)
        tpu.yield
      }) : () -> ()
    } else {
    }
    return
  }
}

#map = affine_map<(d0, d1) -> (0, 0, 0)>
#map1 = affine_map<(d0, d1) -> (0, 0)>
module attributes {stable_mosaic.version = 14 : i64} {
  func.func @_deg_body(%arg0: i32, %arg1: i32, %arg2: memref<32x125x80xi32, #tpu.memory_space<hbm>>, %arg3: memref<80x1xf32, #tpu.memory_space<hbm>>, %arg4: memref<1000x1xf32, #tpu.memory_space<hbm>>, %arg5: memref<2x10000x1xf32, #tpu.memory_space<hbm>>, %arg6: memref<125x80xi32, #tpu.memory_space<vmem>>, %arg7: memref<80x1xf32, #tpu.memory_space<vmem>>, %arg8: memref<10000x1xf32, #tpu.memory_space<vmem_shared>>) attributes {dimension_semantics = [#tpu.dimension_semantics<core_parallel>, #tpu.dimension_semantics<subcore_parallel>], iteration_bounds = array<i64: 2, 16>, scalar_prefetch = 0 : i64, scratch_operands = 3 : i64, tpu.core_type = #tpu.core_type<sc_vector_subcore>, window_params = [{transform_indices = #map}, {transform_indices = #map1}, {transform_indices = #map1}, {transform_indices = #map}]} {
    %mul3A = arith.constant 16 : i32
    %mul3A_0 = arith.muli %arg0, %mul3A : i32
    %add3A = arith.addi %mul3A_0, %arg1 : i32
    "tpu.region"() ({
      %run_scoped3A = tpu.sem_alloc : memref<!tpu.dma_semaphore, #tpu.memory_space<semaphore_mem>>
      %dma_start3A = arith.constant 0 : i32
      %dma_start3A_14 = arith.constant 0 : i32
      %dma_start3A_15 = tpu.memref_slice %arg2[%add3A, %dma_start3A, %dma_start3A_14] : memref<32x125x80xi32, #tpu.memory_space<hbm>> -> memref<1x125x80xi32, #tpu.memory_space<hbm>>
      %dma_start3A_16 = tpu.memref_squeeze %dma_start3A_15 : memref<1x125x80xi32, #tpu.memory_space<hbm>> -> memref<125x80xi32, #tpu.memory_space<hbm>>
      %dma_start3A_17 = arith.constant 0 : i32
      %dma_start3A_18 = arith.constant 0 : i32
      %dma_start3A_19 = tpu.memref_slice %arg2[%add3A, %dma_start3A_17, %dma_start3A_18] : memref<32x125x80xi32, #tpu.memory_space<hbm>> -> memref<1x125x80xi32, #tpu.memory_space<hbm>>
      %dma_start3A_20 = tpu.memref_squeeze %dma_start3A_19 : memref<1x125x80xi32, #tpu.memory_space<hbm>> -> memref<125x80xi32, #tpu.memory_space<hbm>>
      tpu.enqueue_dma source(%dma_start3A_20 : memref<125x80xi32, #tpu.memory_space<hbm>>) target(%arg6 : memref<125x80xi32, #tpu.memory_space<vmem>>) target_semaphore(%run_scoped3A : memref<!tpu.dma_semaphore, #tpu.memory_space<semaphore_mem>>)
      %dma_wait3A = arith.constant 0 : i32
      %dma_wait3A_21 = arith.constant 0 : i32
      %dma_wait3A_22 = tpu.memref_slice %arg2[%add3A, %dma_wait3A, %dma_wait3A_21] : memref<32x125x80xi32, #tpu.memory_space<hbm>> -> memref<1x125x80xi32, #tpu.memory_space<hbm>>
      %dma_wait3A_23 = tpu.memref_squeeze %dma_wait3A_22 : memref<1x125x80xi32, #tpu.memory_space<hbm>> -> memref<125x80xi32, #tpu.memory_space<hbm>>
      %dma_wait3A_24 = arith.constant 0 : i32
      %dma_wait3A_25 = arith.constant 0 : i32
      %dma_wait3A_26 = tpu.memref_slice %arg2[%add3A, %dma_wait3A_24, %dma_wait3A_25] : memref<32x125x80xi32, #tpu.memory_space<hbm>> -> memref<1x125x80xi32, #tpu.memory_space<hbm>>
      %dma_wait3A_27 = tpu.memref_squeeze %dma_wait3A_26 : memref<1x125x80xi32, #tpu.memory_space<hbm>> -> memref<125x80xi32, #tpu.memory_space<hbm>>
      tpu.wait_dma2 semaphore(%run_scoped3A : memref<!tpu.dma_semaphore, #tpu.memory_space<semaphore_mem>>) src(%dma_wait3A_27 : memref<125x80xi32, #tpu.memory_space<hbm>>) dst(%arg6 : memref<125x80xi32, #tpu.memory_space<vmem>>)
      tpu.yield
    }) : () -> ()
    "tpu.region"() ({
      %run_scoped3A = tpu.sem_alloc : memref<!tpu.dma_semaphore, #tpu.memory_space<semaphore_mem>>
      tpu.enqueue_dma source(%arg3 : memref<80x1xf32, #tpu.memory_space<hbm>>) target(%arg7 : memref<80x1xf32, #tpu.memory_space<vmem>>) target_semaphore(%run_scoped3A : memref<!tpu.dma_semaphore, #tpu.memory_space<semaphore_mem>>)
      tpu.wait_dma2 semaphore(%run_scoped3A : memref<!tpu.dma_semaphore, #tpu.memory_space<semaphore_mem>>) src(%arg3 : memref<80x1xf32, #tpu.memory_space<hbm>>) dst(%arg7 : memref<80x1xf32, #tpu.memory_space<vmem>>)
      tpu.yield
    }) : () -> ()
    %lt3A = arith.constant 10 : i32
    %lt3A_1 = arith.cmpi slt, %arg1, %lt3A : i32
    %convert_element_type3A = arith.extui %lt3A_1 : i1 to i32
    %cond3A = arith.constant 0 : i32
    %cond3A_2 = arith.cmpi ne, %convert_element_type3A, %cond3A : i32
    scf.if %cond3A_2 {
      %mul3A_14 = arith.constant 1000 : i32
      %mul3A_15 = arith.muli %arg1, %mul3A_14 : i32
      "tpu.region"() ({
        %run_scoped3A = tpu.sem_alloc : memref<!tpu.dma_semaphore, #tpu.memory_space<semaphore_mem>>
        %dma_start3A = arith.constant 0 : i32
        %dma_start3A_16 = tpu.memref_slice %arg8[%mul3A_15, %dma_start3A] : memref<10000x1xf32, #tpu.memory_space<vmem_shared>> -> memref<1000x1xf32, #tpu.memory_space<vmem_shared>>
        tpu.enqueue_dma source(%arg4 : memref<1000x1xf32, #tpu.memory_space<hbm>>) target(%dma_start3A_16 : memref<1000x1xf32, #tpu.memory_space<vmem_shared>>) target_semaphore(%run_scoped3A : memref<!tpu.dma_semaphore, #tpu.memory_space<semaphore_mem>>)
        %dma_wait3A = arith.constant 0 : i32
        %dma_wait3A_17 = tpu.memref_slice %arg8[%mul3A_15, %dma_wait3A] : memref<10000x1xf32, #tpu.memory_space<vmem_shared>> -> memref<1000x1xf32, #tpu.memory_space<vmem_shared>>
        tpu.wait_dma2 semaphore(%run_scoped3A : memref<!tpu.dma_semaphore, #tpu.memory_space<semaphore_mem>>) src(%arg4 : memref<1000x1xf32, #tpu.memory_space<hbm>>) dst(%dma_wait3A_17 : memref<1000x1xf32, #tpu.memory_space<vmem_shared>>)
        tpu.yield
      }) : () -> ()
    } else {
    }
    %barrier3A = arith.constant 0 : index
    tpu.barrier barrier_id(%barrier3A)
    %scan3A = arith.constant 0 : i32
    %scan3A_3 = arith.constant 0 : i32
    %scan3A_4 = arith.constant 125 : i32
    %scan3A_5 = arith.addi %scan3A_3, %scan3A_4 : i32
    %scan3A_6 = arith.constant 1 : i32
    scf.for %scan3A_14 = %scan3A_3 to %scan3A_5 step %scan3A_6  : i32 {
      "tpu.region"() ({
        %run_scoped3A = tpu.sem_alloc : memref<!tpu.dma_semaphore, #tpu.memory_space<semaphore_mem>>
        %dma_start3A = arith.constant 0 : i32
        %dma_start3A_15 = tpu.memref_slice %arg6[%scan3A_14, %dma_start3A] : memref<125x80xi32, #tpu.memory_space<vmem>> -> memref<1x80xi32, #tpu.memory_space<vmem>>
        %dma_start3A_16 = tpu.memref_squeeze %dma_start3A_15 : memref<1x80xi32, #tpu.memory_space<vmem>> -> memref<80xi32, #tpu.memory_space<vmem>>
        %dma_start3A_17 = arith.constant 0 : i32
        %dma_start3A_18 = arith.constant 0 : i32
        %dma_start3A_19 = tpu.memref_slice %arg8[%dma_start3A_17, %dma_start3A_18] : memref<10000x1xf32, #tpu.memory_space<vmem_shared>> -> memref<10000x1xf32, #tpu.memory_space<vmem_shared>>
        tpu.enqueue_indirect_dma source(%arg7 : memref<80x1xf32, #tpu.memory_space<vmem>>) target(%dma_start3A_19 : memref<10000x1xf32, #tpu.memory_space<vmem_shared>>) offsets(%dma_start3A_16 : memref<80xi32, #tpu.memory_space<vmem>>) semaphore(%run_scoped3A : memref<!tpu.dma_semaphore, #tpu.memory_space<semaphore_mem>>) {add = true}
        %dma_wait3A = arith.constant 0 : i32
        %dma_wait3A_20 = tpu.memref_slice %arg6[%scan3A_14, %dma_wait3A] : memref<125x80xi32, #tpu.memory_space<vmem>> -> memref<1x80xi32, #tpu.memory_space<vmem>>
        %dma_wait3A_21 = tpu.memref_squeeze %dma_wait3A_20 : memref<1x80xi32, #tpu.memory_space<vmem>> -> memref<80xi32, #tpu.memory_space<vmem>>
        %dma_wait3A_22 = arith.constant 0 : i32
        %dma_wait3A_23 = arith.constant 0 : i32
        %dma_wait3A_24 = tpu.memref_slice %arg8[%dma_wait3A_22, %dma_wait3A_23] : memref<10000x1xf32, #tpu.memory_space<vmem_shared>> -> memref<10000x1xf32, #tpu.memory_space<vmem_shared>>
        tpu.wait_indirect_dma semaphore(%run_scoped3A : memref<!tpu.dma_semaphore, #tpu.memory_space<semaphore_mem>>) src(%arg7 : memref<80x1xf32, #tpu.memory_space<vmem>>) dst(%dma_wait3A_24 : memref<10000x1xf32, #tpu.memory_space<vmem_shared>>)
        tpu.yield
      }) : () -> ()
    }
    %scan3A_7 = arith.constant 125 : i32
    %barrier3A_8 = arith.constant 0 : index
    tpu.barrier barrier_id(%barrier3A_8)
    %lt3A_9 = arith.constant 10 : i32
    %lt3A_10 = arith.cmpi slt, %arg1, %lt3A_9 : i32
    %convert_element_type3A_11 = arith.extui %lt3A_10 : i1 to i32
    %cond3A_12 = arith.constant 0 : i32
    %cond3A_13 = arith.cmpi ne, %convert_element_type3A_11, %cond3A_12 : i32
    scf.if %cond3A_13 {
      %mul3A_14 = arith.constant 1000 : i32
      %mul3A_15 = arith.muli %arg1, %mul3A_14 : i32
      %mul3A_16 = arith.constant 1000 : i32
      %mul3A_17 = arith.muli %arg1, %mul3A_16 : i32
      "tpu.region"() ({
        %run_scoped3A = tpu.sem_alloc : memref<!tpu.dma_semaphore, #tpu.memory_space<semaphore_mem>>
        %dma_start3A = arith.constant 0 : i32
        %dma_start3A_18 = tpu.memref_slice %arg5[%arg0, %mul3A_17, %dma_start3A] : memref<2x10000x1xf32, #tpu.memory_space<hbm>> -> memref<1x1000x1xf32, #tpu.memory_space<hbm>>
        %dma_start3A_19 = tpu.memref_squeeze %dma_start3A_18 : memref<1x1000x1xf32, #tpu.memory_space<hbm>> -> memref<1000x1xf32, #tpu.memory_space<hbm>>
        %dma_start3A_20 = arith.constant 0 : i32
        %dma_start3A_21 = tpu.memref_slice %arg8[%mul3A_15, %dma_start3A_20] : memref<10000x1xf32, #tpu.memory_space<vmem_shared>> -> memref<1000x1xf32, #tpu.memory_space<vmem_shared>>
        tpu.enqueue_dma source(%dma_start3A_21 : memref<1000x1xf32, #tpu.memory_space<vmem_shared>>) target(%dma_start3A_19 : memref<1000x1xf32, #tpu.memory_space<hbm>>) target_semaphore(%run_scoped3A : memref<!tpu.dma_semaphore, #tpu.memory_space<semaphore_mem>>)
        %dma_wait3A = arith.constant 0 : i32
        %dma_wait3A_22 = tpu.memref_slice %arg5[%arg0, %mul3A_17, %dma_wait3A] : memref<2x10000x1xf32, #tpu.memory_space<hbm>> -> memref<1x1000x1xf32, #tpu.memory_space<hbm>>
        %dma_wait3A_23 = tpu.memref_squeeze %dma_wait3A_22 : memref<1x1000x1xf32, #tpu.memory_space<hbm>> -> memref<1000x1xf32, #tpu.memory_space<hbm>>
        %dma_wait3A_24 = arith.constant 0 : i32
        %dma_wait3A_25 = tpu.memref_slice %arg8[%mul3A_15, %dma_wait3A_24] : memref<10000x1xf32, #tpu.memory_space<vmem_shared>> -> memref<1000x1xf32, #tpu.memory_space<vmem_shared>>
        tpu.wait_dma2 semaphore(%run_scoped3A : memref<!tpu.dma_semaphore, #tpu.memory_space<semaphore_mem>>) src(%dma_wait3A_25 : memref<1000x1xf32, #tpu.memory_space<vmem_shared>>) dst(%dma_wait3A_23 : memref<1000x1xf32, #tpu.memory_space<hbm>>)
        tpu.yield
      }) : () -> ()
    } else {
    }
    return
  }
}

#map = affine_map<(d0, d1) -> (0, 0)>
#map1 = affine_map<(d0, d1) -> (0, 0, 0)>
module attributes {stable_mosaic.version = 14 : i64} {
  func.func @body(%arg0: i32, %arg1: i32, %arg2: memref<10000x32xf32, #tpu.memory_space<hbm>>, %arg3: memref<32x125x80xi32, #tpu.memory_space<hbm>>, %arg4: memref<32x125x80xi32, #tpu.memory_space<hbm>>, %arg5: memref<1000x32xf32, #tpu.memory_space<hbm>>, %arg6: memref<2x10000x32xf32, #tpu.memory_space<hbm>>, %arg7: memref<125x80xi32, #tpu.memory_space<vmem>>, %arg8: memref<125x80xi32, #tpu.memory_space<vmem>>, %arg9: memref<80x32xf32, #tpu.memory_space<vmem>>, %arg10: memref<10000x32xf32, #tpu.memory_space<vmem_shared>>, %arg11: memref<!tpu.dma_semaphore, #tpu.memory_space<semaphore_mem>>) attributes {dimension_semantics = [#tpu.dimension_semantics<core_parallel>, #tpu.dimension_semantics<subcore_parallel>], iteration_bounds = array<i64: 2, 16>, scalar_prefetch = 0 : i64, scratch_operands = 5 : i64, tpu.core_type = #tpu.core_type<sc_vector_subcore>, window_params = [{transform_indices = #map}, {transform_indices = #map1}, {transform_indices = #map1}, {transform_indices = #map}, {transform_indices = #map1}]} {
    %mul3A = arith.constant 16 : i32
    %mul3A_0 = arith.muli %arg0, %mul3A : i32
    %add3A = arith.addi %mul3A_0, %arg1 : i32
    "tpu.region"() ({
      %run_scoped3A = tpu.sem_alloc : memref<!tpu.dma_semaphore, #tpu.memory_space<semaphore_mem>>
      %dma_start3A = arith.constant 0 : i32
      %dma_start3A_14 = arith.constant 0 : i32
      %dma_start3A_15 = tpu.memref_slice %arg3[%add3A, %dma_start3A, %dma_start3A_14] : memref<32x125x80xi32, #tpu.memory_space<hbm>> -> memref<1x125x80xi32, #tpu.memory_space<hbm>>
      %dma_start3A_16 = tpu.memref_squeeze %dma_start3A_15 : memref<1x125x80xi32, #tpu.memory_space<hbm>> -> memref<125x80xi32, #tpu.memory_space<hbm>>
      %dma_start3A_17 = arith.constant 0 : i32
      %dma_start3A_18 = arith.constant 0 : i32
      %dma_start3A_19 = tpu.memref_slice %arg3[%add3A, %dma_start3A_17, %dma_start3A_18] : memref<32x125x80xi32, #tpu.memory_space<hbm>> -> memref<1x125x80xi32, #tpu.memory_space<hbm>>
      %dma_start3A_20 = tpu.memref_squeeze %dma_start3A_19 : memref<1x125x80xi32, #tpu.memory_space<hbm>> -> memref<125x80xi32, #tpu.memory_space<hbm>>
      tpu.enqueue_dma source(%dma_start3A_20 : memref<125x80xi32, #tpu.memory_space<hbm>>) target(%arg7 : memref<125x80xi32, #tpu.memory_space<vmem>>) target_semaphore(%run_scoped3A : memref<!tpu.dma_semaphore, #tpu.memory_space<semaphore_mem>>)
      %dma_wait3A = arith.constant 0 : i32
      %dma_wait3A_21 = arith.constant 0 : i32
      %dma_wait3A_22 = tpu.memref_slice %arg3[%add3A, %dma_wait3A, %dma_wait3A_21] : memref<32x125x80xi32, #tpu.memory_space<hbm>> -> memref<1x125x80xi32, #tpu.memory_space<hbm>>
      %dma_wait3A_23 = tpu.memref_squeeze %dma_wait3A_22 : memref<1x125x80xi32, #tpu.memory_space<hbm>> -> memref<125x80xi32, #tpu.memory_space<hbm>>
      %dma_wait3A_24 = arith.constant 0 : i32
      %dma_wait3A_25 = arith.constant 0 : i32
      %dma_wait3A_26 = tpu.memref_slice %arg3[%add3A, %dma_wait3A_24, %dma_wait3A_25] : memref<32x125x80xi32, #tpu.memory_space<hbm>> -> memref<1x125x80xi32, #tpu.memory_space<hbm>>
      %dma_wait3A_27 = tpu.memref_squeeze %dma_wait3A_26 : memref<1x125x80xi32, #tpu.memory_space<hbm>> -> memref<125x80xi32, #tpu.memory_space<hbm>>
      tpu.wait_dma2 semaphore(%run_scoped3A : memref<!tpu.dma_semaphore, #tpu.memory_space<semaphore_mem>>) src(%dma_wait3A_27 : memref<125x80xi32, #tpu.memory_space<hbm>>) dst(%arg7 : memref<125x80xi32, #tpu.memory_space<vmem>>)
      tpu.yield
    }) : () -> ()
    "tpu.region"() ({
      %run_scoped3A = tpu.sem_alloc : memref<!tpu.dma_semaphore, #tpu.memory_space<semaphore_mem>>
      %dma_start3A = arith.constant 0 : i32
      %dma_start3A_14 = arith.constant 0 : i32
      %dma_start3A_15 = tpu.memref_slice %arg4[%add3A, %dma_start3A, %dma_start3A_14] : memref<32x125x80xi32, #tpu.memory_space<hbm>> -> memref<1x125x80xi32, #tpu.memory_space<hbm>>
      %dma_start3A_16 = tpu.memref_squeeze %dma_start3A_15 : memref<1x125x80xi32, #tpu.memory_space<hbm>> -> memref<125x80xi32, #tpu.memory_space<hbm>>
      %dma_start3A_17 = arith.constant 0 : i32
      %dma_start3A_18 = arith.constant 0 : i32
      %dma_start3A_19 = tpu.memref_slice %arg4[%add3A, %dma_start3A_17, %dma_start3A_18] : memref<32x125x80xi32, #tpu.memory_space<hbm>> -> memref<1x125x80xi32, #tpu.memory_space<hbm>>
      %dma_start3A_20 = tpu.memref_squeeze %dma_start3A_19 : memref<1x125x80xi32, #tpu.memory_space<hbm>> -> memref<125x80xi32, #tpu.memory_space<hbm>>
      tpu.enqueue_dma source(%dma_start3A_20 : memref<125x80xi32, #tpu.memory_space<hbm>>) target(%arg8 : memref<125x80xi32, #tpu.memory_space<vmem>>) target_semaphore(%run_scoped3A : memref<!tpu.dma_semaphore, #tpu.memory_space<semaphore_mem>>)
      %dma_wait3A = arith.constant 0 : i32
      %dma_wait3A_21 = arith.constant 0 : i32
      %dma_wait3A_22 = tpu.memref_slice %arg4[%add3A, %dma_wait3A, %dma_wait3A_21] : memref<32x125x80xi32, #tpu.memory_space<hbm>> -> memref<1x125x80xi32, #tpu.memory_space<hbm>>
      %dma_wait3A_23 = tpu.memref_squeeze %dma_wait3A_22 : memref<1x125x80xi32, #tpu.memory_space<hbm>> -> memref<125x80xi32, #tpu.memory_space<hbm>>
      %dma_wait3A_24 = arith.constant 0 : i32
      %dma_wait3A_25 = arith.constant 0 : i32
      %dma_wait3A_26 = tpu.memref_slice %arg4[%add3A, %dma_wait3A_24, %dma_wait3A_25] : memref<32x125x80xi32, #tpu.memory_space<hbm>> -> memref<1x125x80xi32, #tpu.memory_space<hbm>>
      %dma_wait3A_27 = tpu.memref_squeeze %dma_wait3A_26 : memref<1x125x80xi32, #tpu.memory_space<hbm>> -> memref<125x80xi32, #tpu.memory_space<hbm>>
      tpu.wait_dma2 semaphore(%run_scoped3A : memref<!tpu.dma_semaphore, #tpu.memory_space<semaphore_mem>>) src(%dma_wait3A_27 : memref<125x80xi32, #tpu.memory_space<hbm>>) dst(%arg8 : memref<125x80xi32, #tpu.memory_space<vmem>>)
      tpu.yield
    }) : () -> ()
    %lt3A = arith.constant 10 : i32
    %lt3A_1 = arith.cmpi slt, %arg1, %lt3A : i32
    %convert_element_type3A = arith.extui %lt3A_1 : i1 to i32
    %cond3A = arith.constant 0 : i32
    %cond3A_2 = arith.cmpi ne, %convert_element_type3A, %cond3A : i32
    scf.if %cond3A_2 {
      %mul3A_14 = arith.constant 1000 : i32
      %mul3A_15 = arith.muli %arg1, %mul3A_14 : i32
      "tpu.region"() ({
        %run_scoped3A = tpu.sem_alloc : memref<!tpu.dma_semaphore, #tpu.memory_space<semaphore_mem>>
        %dma_start3A = arith.constant 0 : i32
        %dma_start3A_16 = tpu.memref_slice %arg10[%mul3A_15, %dma_start3A] : memref<10000x32xf32, #tpu.memory_space<vmem_shared>> -> memref<1000x32xf32, #tpu.memory_space<vmem_shared>>
        tpu.enqueue_dma source(%arg5 : memref<1000x32xf32, #tpu.memory_space<hbm>>) target(%dma_start3A_16 : memref<1000x32xf32, #tpu.memory_space<vmem_shared>>) target_semaphore(%run_scoped3A : memref<!tpu.dma_semaphore, #tpu.memory_space<semaphore_mem>>)
        %dma_wait3A = arith.constant 0 : i32
        %dma_wait3A_17 = tpu.memref_slice %arg10[%mul3A_15, %dma_wait3A] : memref<10000x32xf32, #tpu.memory_space<vmem_shared>> -> memref<1000x32xf32, #tpu.memory_space<vmem_shared>>
        tpu.wait_dma2 semaphore(%run_scoped3A : memref<!tpu.dma_semaphore, #tpu.memory_space<semaphore_mem>>) src(%arg5 : memref<1000x32xf32, #tpu.memory_space<hbm>>) dst(%dma_wait3A_17 : memref<1000x32xf32, #tpu.memory_space<vmem_shared>>)
        tpu.yield
      }) : () -> ()
    } else {
    }
    %barrier3A = arith.constant 0 : index
    tpu.barrier barrier_id(%barrier3A)
    %scan3A = arith.constant 0 : i32
    %scan3A_3 = arith.constant 0 : i32
    %scan3A_4 = arith.constant 125 : i32
    %scan3A_5 = arith.addi %scan3A_3, %scan3A_4 : i32
    %scan3A_6 = arith.constant 1 : i32
    scf.for %scan3A_14 = %scan3A_3 to %scan3A_5 step %scan3A_6  : i32 {
      %dma_start3A = arith.constant 0 : i32
      %dma_start3A_15 = tpu.memref_slice %arg7[%scan3A_14, %dma_start3A] : memref<125x80xi32, #tpu.memory_space<vmem>> -> memref<1x80xi32, #tpu.memory_space<vmem>>
      %dma_start3A_16 = tpu.memref_squeeze %dma_start3A_15 : memref<1x80xi32, #tpu.memory_space<vmem>> -> memref<80xi32, #tpu.memory_space<vmem>>
      %dma_start3A_17 = arith.constant 0 : i32
      %dma_start3A_18 = arith.constant 0 : i32
      %dma_start3A_19 = tpu.memref_slice %arg2[%dma_start3A_17, %dma_start3A_18] : memref<10000x32xf32, #tpu.memory_space<hbm>> -> memref<10000x32xf32, #tpu.memory_space<hbm>>
      tpu.enqueue_indirect_dma source(%dma_start3A_19 : memref<10000x32xf32, #tpu.memory_space<hbm>>) target(%arg9 : memref<80x32xf32, #tpu.memory_space<vmem>>) offsets(%dma_start3A_16 : memref<80xi32, #tpu.memory_space<vmem>>) semaphore(%arg11 : memref<!tpu.dma_semaphore, #tpu.memory_space<semaphore_mem>>)
      %dma_wait3A = arith.constant 0 : i32
      %dma_wait3A_20 = tpu.memref_slice %arg7[%scan3A_14, %dma_wait3A] : memref<125x80xi32, #tpu.memory_space<vmem>> -> memref<1x80xi32, #tpu.memory_space<vmem>>
      %dma_wait3A_21 = tpu.memref_squeeze %dma_wait3A_20 : memref<1x80xi32, #tpu.memory_space<vmem>> -> memref<80xi32, #tpu.memory_space<vmem>>
      %dma_wait3A_22 = arith.constant 0 : i32
      %dma_wait3A_23 = arith.constant 0 : i32
      %dma_wait3A_24 = tpu.memref_slice %arg2[%dma_wait3A_22, %dma_wait3A_23] : memref<10000x32xf32, #tpu.memory_space<hbm>> -> memref<10000x32xf32, #tpu.memory_space<hbm>>
      tpu.wait_indirect_dma semaphore(%arg11 : memref<!tpu.dma_semaphore, #tpu.memory_space<semaphore_mem>>) src(%dma_wait3A_24 : memref<10000x32xf32, #tpu.memory_space<hbm>>) dst(%arg9 : memref<80x32xf32, #tpu.memory_space<vmem>>)
      "tpu.region"() ({
        %run_scoped3A = tpu.sem_alloc : memref<!tpu.dma_semaphore, #tpu.memory_space<semaphore_mem>>
        %dma_start3A_25 = arith.constant 0 : i32
        %dma_start3A_26 = tpu.memref_slice %arg8[%scan3A_14, %dma_start3A_25] : memref<125x80xi32, #tpu.memory_space<vmem>> -> memref<1x80xi32, #tpu.memory_space<vmem>>
        %dma_start3A_27 = tpu.memref_squeeze %dma_start3A_26 : memref<1x80xi32, #tpu.memory_space<vmem>> -> memref<80xi32, #tpu.memory_space<vmem>>
        %dma_start3A_28 = arith.constant 0 : i32
        %dma_start3A_29 = arith.constant 0 : i32
        %dma_start3A_30 = tpu.memref_slice %arg10[%dma_start3A_28, %dma_start3A_29] : memref<10000x32xf32, #tpu.memory_space<vmem_shared>> -> memref<10000x32xf32, #tpu.memory_space<vmem_shared>>
        tpu.enqueue_indirect_dma source(%arg9 : memref<80x32xf32, #tpu.memory_space<vmem>>) target(%dma_start3A_30 : memref<10000x32xf32, #tpu.memory_space<vmem_shared>>) offsets(%dma_start3A_27 : memref<80xi32, #tpu.memory_space<vmem>>) semaphore(%run_scoped3A : memref<!tpu.dma_semaphore, #tpu.memory_space<semaphore_mem>>) {add = true}
        %dma_wait3A_31 = arith.constant 0 : i32
        %dma_wait3A_32 = tpu.memref_slice %arg8[%scan3A_14, %dma_wait3A_31] : memref<125x80xi32, #tpu.memory_space<vmem>> -> memref<1x80xi32, #tpu.memory_space<vmem>>
        %dma_wait3A_33 = tpu.memref_squeeze %dma_wait3A_32 : memref<1x80xi32, #tpu.memory_space<vmem>> -> memref<80xi32, #tpu.memory_space<vmem>>
        %dma_wait3A_34 = arith.constant 0 : i32
        %dma_wait3A_35 = arith.constant 0 : i32
        %dma_wait3A_36 = tpu.memref_slice %arg10[%dma_wait3A_34, %dma_wait3A_35] : memref<10000x32xf32, #tpu.memory_space<vmem_shared>> -> memref<10000x32xf32, #tpu.memory_space<vmem_shared>>
        tpu.wait_indirect_dma semaphore(%run_scoped3A : memref<!tpu.dma_semaphore, #tpu.memory_space<semaphore_mem>>) src(%arg9 : memref<80x32xf32, #tpu.memory_space<vmem>>) dst(%dma_wait3A_36 : memref<10000x32xf32, #tpu.memory_space<vmem_shared>>)
        tpu.yield
      }) : () -> ()
    }
    %scan3A_7 = arith.constant 125 : i32
    %barrier3A_8 = arith.constant 0 : index
    tpu.barrier barrier_id(%barrier3A_8)
    %lt3A_9 = arith.constant 10 : i32
    %lt3A_10 = arith.cmpi slt, %arg1, %lt3A_9 : i32
    %convert_element_type3A_11 = arith.extui %lt3A_10 : i1 to i32
    %cond3A_12 = arith.constant 0 : i32
    %cond3A_13 = arith.cmpi ne, %convert_element_type3A_11, %cond3A_12 : i32
    scf.if %cond3A_13 {
      %mul3A_14 = arith.constant 1000 : i32
      %mul3A_15 = arith.muli %arg1, %mul3A_14 : i32
      %mul3A_16 = arith.constant 1000 : i32
      %mul3A_17 = arith.muli %arg1, %mul3A_16 : i32
      "tpu.region"() ({
        %run_scoped3A = tpu.sem_alloc : memref<!tpu.dma_semaphore, #tpu.memory_space<semaphore_mem>>
        %dma_start3A = arith.constant 0 : i32
        %dma_start3A_18 = tpu.memref_slice %arg6[%arg0, %mul3A_17, %dma_start3A] : memref<2x10000x32xf32, #tpu.memory_space<hbm>> -> memref<1x1000x32xf32, #tpu.memory_space<hbm>>
        %dma_start3A_19 = tpu.memref_squeeze %dma_start3A_18 : memref<1x1000x32xf32, #tpu.memory_space<hbm>> -> memref<1000x32xf32, #tpu.memory_space<hbm>>
        %dma_start3A_20 = arith.constant 0 : i32
        %dma_start3A_21 = tpu.memref_slice %arg10[%mul3A_15, %dma_start3A_20] : memref<10000x32xf32, #tpu.memory_space<vmem_shared>> -> memref<1000x32xf32, #tpu.memory_space<vmem_shared>>
        tpu.enqueue_dma source(%dma_start3A_21 : memref<1000x32xf32, #tpu.memory_space<vmem_shared>>) target(%dma_start3A_19 : memref<1000x32xf32, #tpu.memory_space<hbm>>) target_semaphore(%run_scoped3A : memref<!tpu.dma_semaphore, #tpu.memory_space<semaphore_mem>>)
        %dma_wait3A = arith.constant 0 : i32
        %dma_wait3A_22 = tpu.memref_slice %arg6[%arg0, %mul3A_17, %dma_wait3A] : memref<2x10000x32xf32, #tpu.memory_space<hbm>> -> memref<1x1000x32xf32, #tpu.memory_space<hbm>>
        %dma_wait3A_23 = tpu.memref_squeeze %dma_wait3A_22 : memref<1x1000x32xf32, #tpu.memory_space<hbm>> -> memref<1000x32xf32, #tpu.memory_space<hbm>>
        %dma_wait3A_24 = arith.constant 0 : i32
        %dma_wait3A_25 = tpu.memref_slice %arg10[%mul3A_15, %dma_wait3A_24] : memref<10000x32xf32, #tpu.memory_space<vmem_shared>> -> memref<1000x32xf32, #tpu.memory_space<vmem_shared>>
        tpu.wait_dma2 semaphore(%run_scoped3A : memref<!tpu.dma_semaphore, #tpu.memory_space<semaphore_mem>>) src(%dma_wait3A_25 : memref<1000x32xf32, #tpu.memory_space<vmem_shared>>) dst(%dma_wait3A_23 : memref<1000x32xf32, #tpu.memory_space<hbm>>)
        tpu.yield
      }) : () -> ()
    } else {
    }
    return
  }
}

module attributes {stable_mosaic.version = 14 : i64} {
  func.func @_tc1_body(%arg0: memref<2x10000x1xf32, #tpu.memory_space<vmem>>, %arg1: memref<10000x128xf32, #tpu.memory_space<vmem>>, %arg2: memref<128x64xf32, #tpu.memory_space<vmem>>, %arg3: memref<10000x1xf32, #tpu.memory_space<vmem>>, %arg4: memref<10000x64xf32, #tpu.memory_space<vmem>>) attributes {dimension_semantics = [], scalar_prefetch = 0 : i64, scratch_operands = 0 : i64, tpu.core_type = #tpu.core_type<tc>} {
    %get3A = arith.constant 0 : index
    %get3A_0 = arith.constant 0 : index
    %get3A_1 = arith.constant 0 : index
    %get3A_2 = vector.load %arg0[%get3A, %get3A_0, %get3A_1] : memref<2x10000x1xf32, #tpu.memory_space<vmem>>, vector<1x10000x1xf32>
    %get3A_3 = vector.shape_cast %get3A_2 : vector<1x10000x1xf32> to vector<10000x1xf32>
    %get3A_4 = arith.constant 1 : index
    %get3A_5 = arith.constant 0 : index
    %get3A_6 = arith.constant 0 : index
    %get3A_7 = vector.load %arg0[%get3A_4, %get3A_5, %get3A_6] : memref<2x10000x1xf32, #tpu.memory_space<vmem>>, vector<1x10000x1xf32>
    %get3A_8 = vector.shape_cast %get3A_7 : vector<1x10000x1xf32> to vector<10000x1xf32>
    %add3A = arith.addf %get3A_3, %get3A_8 : vector<10000x1xf32>
    %add3A_9 = arith.constant 1.000000e+00 : f32
    %add3A_10 = vector.broadcast %add3A_9 : f32 to vector<10000x1xf32>
    %add3A_11 = arith.addf %add3A, %add3A_10 : vector<10000x1xf32>
    %rsqrt3A = math.rsqrt %add3A_11 : vector<10000x1xf32>
    %swap3A = arith.constant 0 : index
    %swap3A_12 = arith.constant 0 : index
    %swap3A_13 = vector.load %arg3[%swap3A, %swap3A_12] : memref<10000x1xf32, #tpu.memory_space<vmem>>, vector<10000x1xf32>
    tpu.vector_store %arg3[%swap3A, %swap3A_12], %rsqrt3A {strides = array<i32>} : memref<10000x1xf32, #tpu.memory_space<vmem>>, vector<10000x1xf32>,
    %get3A_14 = arith.constant 0 : index
    %get3A_15 = arith.constant 0 : index
    %get3A_16 = vector.load %arg1[%get3A_14, %get3A_15] : memref<10000x128xf32, #tpu.memory_space<vmem>>, vector<10000x128xf32>
    %get3A_17 = arith.constant 0 : index
    %get3A_18 = arith.constant 0 : index
    %get3A_19 = vector.load %arg2[%get3A_17, %get3A_18] : memref<128x64xf32, #tpu.memory_space<vmem>>, vector<128x64xf32>
    %dot_general3A = arith.constant dense<0.000000e+00> : vector<10000x64xf32>
    %dot_general3A_20 = tpu.matmul %get3A_16, %get3A_19, %dot_general3A {dimension_numbers = #tpu.dot_dimension_numbers<[1], [0], [0], [1], [0, 0, 1, 1], [], []>, transpose_lhs_hint = false} : vector<10000x128xf32>, vector<128x64xf32>, vector<10000x64xf32> -> vector<10000x64xf32>
    %mul3A = vector.broadcast %rsqrt3A : vector<10000x1xf32> to vector<10000x64xf32>
    %mul3A_21 = arith.mulf %dot_general3A_20, %mul3A : vector<10000x64xf32>
    %swap3A_22 = arith.constant 0 : index
    %swap3A_23 = arith.constant 0 : index
    %swap3A_24 = vector.load %arg4[%swap3A_22, %swap3A_23] : memref<10000x64xf32, #tpu.memory_space<vmem>>, vector<10000x64xf32>
    tpu.vector_store %arg4[%swap3A_22, %swap3A_23], %mul3A_21 {strides = array<i32>} : memref<10000x64xf32, #tpu.memory_space<vmem>>, vector<10000x64xf32>,
    return
  }
}

module attributes {stable_mosaic.version = 14 : i64} {
  func.func @_tc2_body(%arg0: memref<2x10000x64xf32, #tpu.memory_space<vmem>>, %arg1: memref<10000x64xf32, #tpu.memory_space<vmem>>, %arg2: memref<10000x1xf32, #tpu.memory_space<vmem>>, %arg3: memref<1x64xf32, #tpu.memory_space<vmem>>, %arg4: memref<64x32xf32, #tpu.memory_space<vmem>>, %arg5: memref<10000x32xf32, #tpu.memory_space<vmem>>) attributes {dimension_semantics = [], scalar_prefetch = 0 : i64, scratch_operands = 0 : i64, tpu.core_type = #tpu.core_type<tc>} {
    %get3A = arith.constant 0 : index
    %get3A_0 = arith.constant 0 : index
    %get3A_1 = vector.load %arg2[%get3A, %get3A_0] : memref<10000x1xf32, #tpu.memory_space<vmem>>, vector<10000x1xf32>
    %get3A_2 = arith.constant 0 : index
    %get3A_3 = arith.constant 0 : index
    %get3A_4 = arith.constant 0 : index
    %get3A_5 = vector.load %arg0[%get3A_2, %get3A_3, %get3A_4] : memref<2x10000x64xf32, #tpu.memory_space<vmem>>, vector<1x10000x64xf32>
    %get3A_6 = vector.shape_cast %get3A_5 : vector<1x10000x64xf32> to vector<10000x64xf32>
    %get3A_7 = arith.constant 1 : index
    %get3A_8 = arith.constant 0 : index
    %get3A_9 = arith.constant 0 : index
    %get3A_10 = vector.load %arg0[%get3A_7, %get3A_8, %get3A_9] : memref<2x10000x64xf32, #tpu.memory_space<vmem>>, vector<1x10000x64xf32>
    %get3A_11 = vector.shape_cast %get3A_10 : vector<1x10000x64xf32> to vector<10000x64xf32>
    %add3A = arith.addf %get3A_6, %get3A_11 : vector<10000x64xf32>
    %get3A_12 = arith.constant 0 : index
    %get3A_13 = arith.constant 0 : index
    %get3A_14 = vector.load %arg1[%get3A_12, %get3A_13] : memref<10000x64xf32, #tpu.memory_space<vmem>>, vector<10000x64xf32>
    %add3A_15 = arith.addf %add3A, %get3A_14 : vector<10000x64xf32>
    %mul3A = vector.broadcast %get3A_1 : vector<10000x1xf32> to vector<10000x64xf32>
    %mul3A_16 = arith.mulf %mul3A, %add3A_15 : vector<10000x64xf32>
    %get3A_17 = arith.constant 0 : index
    %get3A_18 = arith.constant 0 : index
    %get3A_19 = vector.load %arg3[%get3A_17, %get3A_18] : memref<1x64xf32, #tpu.memory_space<vmem>>, vector<1x64xf32>
    %add3A_20 = vector.broadcast %get3A_19 : vector<1x64xf32> to vector<10000x64xf32>
    %add3A_21 = arith.addf %mul3A_16, %add3A_20 : vector<10000x64xf32>
    %max3A = arith.constant 0.000000e+00 : f32
    %max3A_22 = vector.broadcast %max3A : f32 to vector<10000x64xf32>
    %max3A_23 = arith.maximumf %add3A_21, %max3A_22 : vector<10000x64xf32>
    %get3A_24 = arith.constant 0 : index
    %get3A_25 = arith.constant 0 : index
    %get3A_26 = vector.load %arg4[%get3A_24, %get3A_25] : memref<64x32xf32, #tpu.memory_space<vmem>>, vector<64x32xf32>
    %dot_general3A = arith.constant dense<0.000000e+00> : vector<10000x32xf32>
    %dot_general3A_27 = tpu.matmul %max3A_23, %get3A_26, %dot_general3A {dimension_numbers = #tpu.dot_dimension_numbers<[1], [0], [0], [1], [0, 0, 1, 1], [], []>, transpose_lhs_hint = false} : vector<10000x64xf32>, vector<64x32xf32>, vector<10000x32xf32> -> vector<10000x32xf32>
    %mul3A_28 = vector.broadcast %get3A_1 : vector<10000x1xf32> to vector<10000x32xf32>
    %mul3A_29 = arith.mulf %dot_general3A_27, %mul3A_28 : vector<10000x32xf32>
    %swap3A = arith.constant 0 : index
    %swap3A_30 = arith.constant 0 : index
    %swap3A_31 = vector.load %arg5[%swap3A, %swap3A_30] : memref<10000x32xf32, #tpu.memory_space<vmem>>, vector<10000x32xf32>
    tpu.vector_store %arg5[%swap3A, %swap3A_30], %mul3A_29 {strides = array<i32>} : memref<10000x32xf32, #tpu.memory_space<vmem>>, vector<10000x32xf32>,
    return
  }
}

module attributes {stable_mosaic.version = 14 : i64} {
  func.func @_tc3_body(%arg0: memref<2x10000x32xf32, #tpu.memory_space<vmem>>, %arg1: memref<10000x32xf32, #tpu.memory_space<vmem>>, %arg2: memref<10000x1xf32, #tpu.memory_space<vmem>>, %arg3: memref<1x32xf32, #tpu.memory_space<vmem>>, %arg4: memref<10000x32xf32, #tpu.memory_space<vmem>>) attributes {dimension_semantics = [], scalar_prefetch = 0 : i64, scratch_operands = 0 : i64, tpu.core_type = #tpu.core_type<tc>} {
    %get3A = arith.constant 0 : index
    %get3A_0 = arith.constant 0 : index
    %get3A_1 = vector.load %arg2[%get3A, %get3A_0] : memref<10000x1xf32, #tpu.memory_space<vmem>>, vector<10000x1xf32>
    %get3A_2 = arith.constant 0 : index
    %get3A_3 = arith.constant 0 : index
    %get3A_4 = arith.constant 0 : index
    %get3A_5 = vector.load %arg0[%get3A_2, %get3A_3, %get3A_4] : memref<2x10000x32xf32, #tpu.memory_space<vmem>>, vector<1x10000x32xf32>
    %get3A_6 = vector.shape_cast %get3A_5 : vector<1x10000x32xf32> to vector<10000x32xf32>
    %get3A_7 = arith.constant 1 : index
    %get3A_8 = arith.constant 0 : index
    %get3A_9 = arith.constant 0 : index
    %get3A_10 = vector.load %arg0[%get3A_7, %get3A_8, %get3A_9] : memref<2x10000x32xf32, #tpu.memory_space<vmem>>, vector<1x10000x32xf32>
    %get3A_11 = vector.shape_cast %get3A_10 : vector<1x10000x32xf32> to vector<10000x32xf32>
    %add3A = arith.addf %get3A_6, %get3A_11 : vector<10000x32xf32>
    %get3A_12 = arith.constant 0 : index
    %get3A_13 = arith.constant 0 : index
    %get3A_14 = vector.load %arg1[%get3A_12, %get3A_13] : memref<10000x32xf32, #tpu.memory_space<vmem>>, vector<10000x32xf32>
    %add3A_15 = arith.addf %add3A, %get3A_14 : vector<10000x32xf32>
    %mul3A = vector.broadcast %get3A_1 : vector<10000x1xf32> to vector<10000x32xf32>
    %mul3A_16 = arith.mulf %mul3A, %add3A_15 : vector<10000x32xf32>
    %get3A_17 = arith.constant 0 : index
    %get3A_18 = arith.constant 0 : index
    %get3A_19 = vector.load %arg3[%get3A_17, %get3A_18] : memref<1x32xf32, #tpu.memory_space<vmem>>, vector<1x32xf32>
    %add3A_20 = vector.broadcast %get3A_19 : vector<1x32xf32> to vector<10000x32xf32>
    %add3A_21 = arith.addf %mul3A_16, %add3A_20 : vector<10000x32xf32>
    %swap3A = arith.constant 0 : index
    %swap3A_22 = arith.constant 0 : index
    %swap3A_23 = vector.load %arg4[%swap3A, %swap3A_22] : memref<10000x32xf32, #tpu.memory_space<vmem>>, vector<10000x32xf32>
    tpu.vector_store %arg4[%swap3A, %swap3A_22], %add3A_21 {strides = array<i32>} : memref<10000x32xf32, #tpu.memory_space<vmem>>, vector<10000x32xf32>,
    return
  }
}

</mosaic_0001>

<sc_bundles>
// kernel: kernel.11.cloned.1.call-start
scs
__scs_entry_jumppad:
0x0: {  	(pc) =	sbr.rel $0x88, $3  }
0x1: {  	(tag) =	ssettag $0x0;
	lr =	simm.s32 $0x1  }
0x2: {  	[smem:$0x3F9B] =	sst lr;
	_ =	strace $0xD0000000  }
0x3: {  	_ = 	snop  }
0x4: {  	_ = 	snop  }
0x5: {  	_ = 	snop  }
0x6: {  	_ = 	snop  }
0x7: {  	_ = 	snop  }
__scs_overlays_trampoline_lowered:
0x8: {  	[smem:$0x3FAA] =	sst s0  }
0x9: {  	[smem:$0x3FAB] =	sst s1  }
0xa: {  	[smem:$0x3FAC] =	sst s2  }
0xb: {  	[smem:$0x3FAD] =	sst s3  }
0xc: {  	[smem:$0x3FAE] =	sst s4  }
0xd: {  	[smem:$0x3FAF] =	sst s5  }
0xe: {  	[smem:$0x3FB0] =	sst s6  }
0xf: {  	[smem:$0x3FB1] =	sst s7  }
0x10: {  	[smem:$0x3FB2] =	sst s8  }
0x11: {  	[smem:$0x3FB3] =	sst s9;
	s0 =	simm.s32 @!p0 $0x0  }
0x12: {  	s1 =	sld [smem:$0x3F99];
	s0 =	simm.s32 @p0 $0x1  }
0x13: {  	[smem:$0x3FB4] =	sst s0;
	s0 =	simm.s32 @!p1 $0x0  }
0x14: {  	s2 =	sld [smem:$0x3F98];
	s0 =	simm.s32 @p1 $0x1  }
0x15: {  	[smem:$0x3FB5] =	sst s0;
	s0 =	simm.s32 @!p2 $0x0  }
0x16: {  	s3 =	sld [smem:$0x3FDB];
	s0 =	simm.s32 @p2 $0x1  }
0x17: {  	s4 =	simm.s32 $0x1BF5;
	[smem:$0x3FB7] =	sst s0  }
0x18: {  	s0 =	sld [smem:$0x3F9A];
	_ =	swait.ge [sflag:s4], $0x0  }
0x19: {  	s7 =	sld [smem:$0x3F9B]  }
0x1a: {  	s8 =	sadd.s32 $0xFFFFE003, lr  }
0x1b: {  	s9 =	sadd.s32 $0xFFFFFEF7, lr;
	s5 =	simm.s32 $0xFFFFFFFF;
	p2 =	slt.u32 s8, $0xFFFFF086  }
0x1c: {  	p1 =	slt.u32 s9, $0xF7A;
	s5 =	simm.s32 @!p2 $0x0  }
0x1d: {  	s5 =	simm.s32 @p1 $0x1;
	p0 =	seq.s32 s7, s2  }
0x1e: {  	s7 =	smul.u32 @!p0 $0xF7A, s2;
	p2 =	seq.s32 @!p0 s5, $0x0  }
0x1f: {  	s9 =	smul.u32 $0xF7A, s1;
	s8 =	simm.s32 @!p0 $0x1BF5;
	p2 =	por !p2, p0  }
0x20: {  	[sflag:s8] =	ssyncset.s32 @!p0 $0xFFFFF086;
	s6 =	sadd.s32 @!p0 s3, s7;
	s7 =	simm.s32 @!p0 $0x108  }
0x21: {  	s3 =	sadd.s32 s3, s9;
	s6 =	sadd.s32 @!p0 $0x88, s6;
	s7 =	simm.s32 @p2 $0x1082  }
0x22: {  	[simem:s7], [sflag:s8] =	dma.local @!p0 [hbm:s6], $0xF7A  }
0x23: {  	s9 =	sor.u32 $0xD0000000, s2;
	s6 =	simm.s32 $0x108;
	_ =	swait.ge @!p0 [sflag:s8], $0x0  }
0x24: {  	s3 =	sadd.s32 $0x88, s3;
	s6 =	simm.s32 @!p1 $0x1082;
	[sflag:s4] =	ssyncset.s32 $0xFFFFF086  }
0x25: {  	[simem:s6], [sflag:s4] =	dma.local [hbm:s3], $0xF7A  }
0x26: {  	[smem:$0x3F9B] =	sst s1;
	(tag) =	ssettag s2;
	_ =	strace s9  }
0x27: {  	s1 =	sld [smem:$0x3FAB]  }
0x28: {  	s2 =	sld [smem:$0x3FAC]  }
0x29: {  	s4 =	sld [smem:$0x3FAE]  }
0x2a: {  	p0 =	seq.s32 s5, $0x0;
	s5 =	sld [smem:$0x3FAF]  }
0x2b: {  	s6 =	sld [smem:$0x3FB0]  }
0x2c: {  	s7 =	sld [smem:$0x3FB1]  }
0x2d: {  	s3 =	simm.s32 $0x108;
	s8 =	sld [smem:$0x3FB2]  }
0x2e: {  	s3 =	simm.s32 @!p0 $0x1082;
	s9 =	sld [smem:$0x3FB3]  }
0x2f: {  	lr =	sadd.s32 s0, s3;
	s0 =	sld [smem:$0x3FAA]  }
0x30: {  	s3 =	sld [smem:$0x3FAD]  }
0x31: {  	[smem:$0x3FB6] =	sst s10  }
0x32: {  	s10 =	sld [smem:$0x3FB4];
	_ =	sdelay $0x3  }
0x33: {  	p0 =	seq.s32 s10, $0x1;
	s10 =	sld [smem:$0x3FB6];
	_ =	sdelay $0x3  }
0x34: {  	[smem:$0x3FB6] =	sst s10  }
0x35: {  	s10 =	sld [smem:$0x3FB5];
	_ =	sdelay $0x3  }
0x36: {  	p1 =	seq.s32 s10, $0x1;
	s10 =	sld [smem:$0x3FB6];
	_ =	sdelay $0x3  }
0x37: {  	[smem:$0x3FB6] =	sst s10  }
0x38: {  	s10 =	sld [smem:$0x3FB7]  }
0x39: {  	_ = 	snop;
	(pc) =	sbr.ind lr, $3  }
0x3a: {  	_ = 	snop  }
0x3b: {  	_ = 	snop  }
0x3c: {  	p2 =	seq.s32 s10, $0x1;
	s10 =	sld [smem:$0x3FB6]  }
0x3d: {  	_ =	shalt  }
0x3e: {  	_ =	shalt  }
0x3f: {  	_ =	shalt  }
0x40: {  	_ =	shalt  }
0x41: {  	_ =	shalt  }
0x42: {  	_ =	shalt  }
0x43: {  	_ =	shalt  }
0x44: {  	_ =	shalt  }
0x45: {  	_ =	shalt  }
0x46: {  	_ =	shalt  }
0x47: {  	_ =	shalt  }
0x48: {  	_ =	shalt  }
0x49: {  	_ =	shalt  }
0x4a: {  	_ =	shalt  }
0x4b: {  	_ =	shalt  }
0x4c: {  	_ =	shalt  }
0x4d: {  	_ =	shalt  }
0x4e: {  	_ =	shalt  }
0x4f: {  	_ =	shalt  }
0x50: {  	_ =	shalt  }
0x51: {  	_ =	shalt  }
0x52: {  	_ =	shalt  }
0x53: {  	_ =	shalt  }
0x54: {  	_ =	shalt  }
0x55: {  	_ =	shalt  }
0x56: {  	_ =	shalt  }
0x57: {  	_ =	shalt  }
0x58: {  	_ =	shalt  }
0x59: {  	_ =	shalt  }
0x5a: {  	_ =	shalt  }
0x5b: {  	_ =	shalt  }
0x5c: {  	_ =	shalt  }
0x5d: {  	_ =	shalt  }
0x5e: {  	_ =	shalt  }
0x5f: {  	_ =	shalt  }
0x60: {  	_ =	shalt  }
0x61: {  	_ =	shalt  }
0x62: {  	_ =	shalt  }
0x63: {  	_ =	shalt  }
0x64: {  	_ =	shalt  }
0x65: {  	_ =	shalt  }
0x66: {  	_ =	shalt  }
0x67: {  	_ =	shalt  }
0x68: {  	_ =	shalt  }
0x69: {  	_ =	shalt  }
0x6a: {  	_ =	shalt  }
0x6b: {  	_ =	shalt  }
0x6c: {  	_ =	shalt  }
0x6d: {  	_ =	shalt  }
0x6e: {  	_ =	shalt  }
0x6f: {  	_ =	shalt  }
0x70: {  	_ =	shalt  }
0x71: {  	_ =	shalt  }
0x72: {  	_ =	shalt  }
0x73: {  	_ =	shalt  }
0x74: {  	_ =	shalt  }
0x75: {  	_ =	shalt  }
0x76: {  	_ =	shalt  }
0x77: {  	_ =	shalt  }
0x78: {  	_ =	shalt  }
0x79: {  	_ =	shalt  }
0x7a: {  	_ =	shalt  }
0x7b: {  	_ =	shalt  }
0x7c: {  	_ =	shalt  }
0x7d: {  	_ =	shalt  }
0x7e: {  	_ =	shalt  }
0x7f: {  	_ =	shalt  }
0x80: {  	_ =	shalt  }
0x81: {  	_ =	shalt  }
0x82: {  	_ =	shalt  }
0x83: {  	_ =	shalt  }
0x84: {  	_ =	shalt  }
0x85: {  	_ =	shalt  }
0x86: {  	_ =	shalt  }
0x87: {  	_ =	shalt  }
.Lfunc_end0:
.L_simem_size_0:
called_computation.1_lowered:
.L_overlay_start_0:
0x88: {  	s2 =	sld [smem:$0x3FD9]  }
0x89: {  	s3 =	sld [smem:$0x3FFE];
	_ =	sdelay $0x1  }
0x8a: {  	s1 =	srdreg.scid  }
0x8b: {  	s0 =	sand.u32 $0x1, s1  }
0x8c: {  	s17 =	sshll.u32 s0, $0xA;
	s2 =	sadd.s32 s3, s2  }
0x8d: {  	s2 =	sadd.s32 s2, s17  }
0x8e: {  	[smem:$0x3FC2] =	sst s2  }
0x8f: {  	_ = 	snop  }
0x90: {  	s2 =	sld [smem:$0x3FD0];
	(tm) =	ssettm $0x1  }
0x91: {  	s18 =	sld [smem:$0x3FFB];
	_ =	sdelay $0x3  }
0x92: {  	_ =	strace s18  }
0x93: {  	s3 =	sld [smem:$0x3FFC];
	_ =	sdelay $0x3  }
0x94: {  	_ =	strace s3  }
0x95: {  	s3 =	sld [smem:$0x3FFD];
	_ =	sdelay $0x3  }
0x96: {  	_ =	strace s3  }
0x97: {  	_ =	strace $0x8FFFFFFF  }
0x98: {  	s19 =	sld [smem:$0x3FDB];
	_ =	sdelay $0x1  }
0x99: {  	s4 =	simm.s32 $_scs_section_size  }
0x9a: {  	s5 =	simm.s32 $_size__tile_overlayer_lowered;
	s6 =	simm.s32 $_tile_overlayer_lowered  }
0x9b: {  	s22 =	simm.s32 $0x1BFF;
	s21 =	sshll.u32 s6, $0x1;
	s3 =	sadd.s32 s4, s19  }
0x9c: {  	s7 =	simm.s32 $0x0;
	s20 =	sshll.u32 s5, $0x1;
	s5 =	sadd.s32 s21, s3  }
0x9d: {  	[timem:s7], [sflag:s22] =	dma.local [hbm:s5], s20  }
0x9e: {  	_ =	swait.ge [sflag:s22], s20  }
0x9f: {  	s4 =	ssub.s32 $0x0, s20;
	[sflag:s22] =	ssyncset.done $0x0  }
0xa0: {  	[sflag:s22] =	ssyncadd.s32 s4;
	_ =	sdelay $0x1  }
0xa1: {  	s23 =	simm.s32 $0x1B8B  }
0xa2: {  	_ =	swait.ge [sflag:s23], $0x1  }
0xa3: {  	[sflag:s23] =	ssyncset.done $0x0  }
0xa4: {  	s25 =	simm.s32 $0x1B8E;
	s24 =	sld [smem:$0x3FFE];
	[sflag:s23] =	ssyncadd.s32 $0xFFFFFFFF  }
0xa5: {  	s26 =	simm.s32 $execute0_lowered;
	[smem:$0x3FD2] =	sst s25  }
0xa6: {  	s5 =	sshll.u32 s26, $0x1;
	_ =	strace $0x80000049;
	[dreg:$0x1] =	wrdreg $0xFFFFFFFF  }
0xa7: {  	s28 =	simm.s32 $_size_execute0_lowered;
	s3 =	sadd.s32 s3, s5;
	[dreg:$0x0] =	wrdreg $0x0  }
0xa8: {  	s5 =	sshll.u32 s28, $0x1;
	[dreg:$0x2] =	wrdreg s3  }
0xa9: {  	[dreg:$0x3] =	wrdreg s5  }
0xaa: {  	[dreg:$0x4] =	wrdreg $0xC0  }
0xab: {  	_ =	task [dreg:s7], $0x5FFFF  }
0xac: {  	[dreg:$0x1] =	wrdreg $0xFFFFFFFF  }
0xad: {  	[dreg:$0x0] =	wrdreg $0x60  }
0xae: {  	[dreg:$0x2] =	wrdreg s24  }
0xaf: {  	[dreg:$0x3] =	wrdreg s2  }
0xb0: {  	[dreg:$0x4] =	wrdreg $0x62200  }
0xb1: {  	[dreg:$0x5] =	wrdreg $0x9  }
0xb2: {  	_ =	task.clear_ibuf [dreg:s7], $0x6FFFF;
	_ =	strace $0x90000049  }
0xb3: {  	s29 =	simm.s32 $0x9;
	_ =	strace $0x8000004B  }
0xb4: {  	_ =	swait.ge [sflag:s29], $0x1  }
0xb5: {  	[sflag:s29] =	ssyncadd.s32 $0xFFFFFFFF  }
0xb6: {  	_ =	strace $0x9000004B  }
0xb7: {  	_ =	sfence  }
0xb8: {  	s30 =	sld [smem:$0x0];
	_ =	sdelay $0x2  }
0xb9: {  	s31 =	sshll.u32 s1, $0xD;
	s1 =	sshrl.u32 s1, $0x2  }
0xba: {  	s3 =	sand.u32 $0x4000, s31;
	s1 =	sadd.s32 s1, s30  }
0xbb: {  	s0 =	sor.u32 s3, s0;
	s1 =	sshll.u32 s1, $0x11  }
0xbc: {  	s0 =	sor.u32 s1, s0  }
0xbd: {  	s0 =	sadd.s32 $0x8F2B, s0  }
0xbe: {  	[sflag:s0] =	ssyncadd.remote.s32 $0x1  }
0xbf: {  	_ =	sfence.sel $0xFFFF  }
0xc0: {  	[dreg:$0x0] =	wrdreg $0xFFFFFFFF;
	(pc) =	sbr.abs _section_cstart, $3  }
0xc1: {  	[dreg:$0x1] =	wrdreg $0xFFFFFFFF  }
0xc2: {  	_ =	task.clear_ibuf [dreg:s7], $0x2FFFF;
	_ =	strace $0x9FFFFFFF  }
0xc3: {  	(tm) =	ssettm $0x7FFFFFFF  }
tec
execute0_lowered:
.L_overlay_start_1:
0x0: {  	(tag) =	ssettag $0x1  }
0x1: {  	s6 =	rddreg [dreg:$0x0]  }
0x2: {  	s7 =	rddreg [dreg:$0x1]  }
0x3: {  	s0 =	srdreg.scid;
	s2 =	rddreg [dreg:$0x2]  }
0x4: {  	s3 =	simm.s32 $0x0;
	s15 =	simm.s32 $0x4E20;
	s16 =	simm.s32 $0x1  }
0x5: {  	s18 =	simm.s32 $0x0;
	s5 =	sand.u32 $0x1, s0;
	s0 =	stileid.u32  }
0x6: {  	[smem:$0x7FF] =	sst s3;
	s4 =	sadd.s32 $0xB400, s6;
	s9 =	smul.u32 $0x9C400, s5  }
0x7: {  	s1 =	sshll.u32 s5, $0x4;
	s10 =	smul.u32 $0xFA00, s0;
	s12 =	ssub.s32 $0x2, s5  }
0x8: {  	s14 =	smul.u32 $0x3E800, s0;
	s5 =	sadd.s32 $0x1EE00, s6;
	s1 =	sor.u32 s0, s1  }
0x9: {  	p0 =	sgt.u32 s0, $0x9;
	s13 =	sshrl.u32 s12, $0x1;
	s8 =	smul.u32 $0x4E2, s1  }
0xa: {  	s1 =	rddreg [dreg:$0x3];
	_ =	strace $0x8000004A;
	s9 =	sadd.s32 s10, s9  }
0xb: {  	s12 =	ssub.s32 s12, s13;
	s31 =	sshrl.u32 s14, $0x2;
	s17 =	sadd.s32 s10, s2  }
0xc: {  	s10 =	simm.s32 $0x2;
	s14 =	simm.s32 $0x50;
	s9 =	sshrl.u32 s9, $0x3  }
0xd: {  	s13 =	sadd.s32 s31, s2;
	s17 =	sshrl.u32 @!p0 s17, $0x3;
	s11 =	sadd.s32 s8, s6  }
0xe: {  	s9 =	sadd.s32 s9, s6;
	s6 =	sadd.s32 s7, s8;
	s13 =	sshrl.u32 @!p0 s13, $0x3  }
0xf: {  	s8 =	sadd.s32 $0x20E00, s9;
	s9 =	smax.u32 s12, $0x1;
	s12 =	sshll.u32 @!p0 s0, $0x6  }
0x10: {  	s7 =	sadd.s32 $0x1600, s11;
	s11 =	simm.s32 $0x2710;
	s12 =	sor.u32 @!p0 $0x1C02, s12  }
.LBB2_1:
0x11: {  	[tilespmem:s3], [sflag:$0x2] =	stream.linear.gather [hbm4b:s6+s3], $0x2710, $0x38;
	[tilespmem:$0xFE60] =	vst v63  }
0x12: {  	_ =	swait.ge [sflag:s10], $0x2710  }
0x13: {  	[sflag:s10] =	ssyncset.done $0x0  }
0x14: {  	[sflag:s10] =	ssyncadd.s32 $0xFFFFD8F0  }
0x15: {  	[tilespmem:s11], [sflag:$0x2] =	stream.linear.gather [hbm4b:s7+s3], $0x2710, $0x38;
	[tilespmem:$0xFE60] =	vst v63  }
0x16: {  	_ =	swait.ge [sflag:s10], $0x2710  }
0x17: {  	[sflag:s10] =	ssyncset.done $0x0  }
0x18: {  	s19 =	simm.s32 @!p0 $0x2;
	[sflag:s10] =	ssyncadd.s32 $0xFFFFD8F0  }
0x19: {  	[spmem:s13], [sflag:s12] =	dma.local @!p0 [hbm:s5], $0x1F40  }
0x1a: {  	_ =	swait.ge @!p0 [sflag:s19], $0x1F40  }
0x1b: {  	[sflag:s19] =	ssyncset.done @!p0 $0x0  }
0x1c: {  	[sflag:s19] =	ssyncadd.s32 @!p0 $0xFFFFE0C0  }
0x1d: {  	s30 =	simm.s32 $0x0;
	[bflag:$0x0] =	sbarrier.arrive $0xFFFF  }
0x1e: {  	[tilespmem:s15], [sflag:$0x1] =	stream.indirect.gather [hbm4b:s4+s14], $0x40, s30, s14, $0xb8;
	[tilespmem:$0xFE60] =	vst v63  }
0x1f: {  	_ =	swait.ge [sflag:s16], $0x1400  }
0x20: {  	[sflag:s16] =	ssyncset.done $0x0  }
0x21: {  	s31 =	simm.s32 $0x2710;
	[sflag:s16] =	ssyncadd.s32 $0xFFFFEC00  }
0x22: {  	[spmem:s2] =	stream.indirect.scatter.add.f32 [tilespmem:s15], [sflag:$0x2], $0x40, s31, s14, $0xb8;
	[tilespmem:$0xFE60] =	vst v63  }
0x23: {  	_ =	swait.ge [sflag:s10], $0x1400  }
0x24: {  	s20 =	simm.s32 $0x280;
	s19 =	simm.s32 $0x140;
	[sflag:s10] =	ssyncset.done $0x0  }
.LBB2_2:
0x25: {  	s21 =	sshra.s32 s19, $0x2  }
0x26: {  	[sflag:s10] =	ssyncadd.s32 $0xFFFFEC00;
	s19 =	smov.u32 s20;
	s22 =	sadd.s32 $0x140, s20  }
0x27: {  	[tilespmem:s15], [sflag:$0x1] =	stream.indirect.gather [hbm4b:s4+s14], $0x40, s21, s14, $0xb8;
	[tilespmem:$0xFE60] =	vst v63  }
0x28: {  	p1 =	sne.s32 s20, $0x9B00;
	_ =	swait.ge [sflag:s16], $0x1400  }
.Ltmp0:
0x29: {  	[sflag:s16] =	ssyncset.done $0x0;
	(pc) =	sbr.rel @p1 .LBB2_2-.Ltmp0, $4  }
0x2a: {  	s20 =	sadd.s32 $0x2710, s21;
	[sflag:s16] =	ssyncadd.s32 $0xFFFFEC00  }
0x2b: {  	[spmem:s2] =	stream.indirect.scatter.add.f32 [tilespmem:s15], [sflag:$0x2], $0x40, s20, s14, $0xb8;
	[tilespmem:$0xFE60] =	vst v63  }
0x2c: {  	_ =	swait.ge [sflag:s10], $0x1400  }
0x2d: {  	s20 =	smov.u32 s22;
	[sflag:s10] =	ssyncset.done $0x0  }
0x2e: {  	s19 =	sshra.s32 s19, $0x2;
	[sflag:s10] =	ssyncadd.s32 $0xFFFFEC00  }
0x2f: {  	[tilespmem:s15], [sflag:$0x1] =	stream.indirect.gather [hbm4b:s4+s14], $0x40, s19, s14, $0xb8;
	[tilespmem:$0xFE60] =	vst v63  }
0x30: {  	_ =	swait.ge [sflag:s16], $0x1400  }
0x31: {  	[sflag:s16] =	ssyncset.done $0x0  }
0x32: {  	s19 =	sadd.s32 $0x2710, s19;
	[sflag:s16] =	ssyncadd.s32 $0xFFFFEC00  }
0x33: {  	[spmem:s2] =	stream.indirect.scatter.add.f32 [tilespmem:s15], [sflag:$0x2], $0x40, s19, s14, $0xb8;
	[tilespmem:$0xFE60] =	vst v63  }
0x34: {  	_ =	swait.ge [sflag:s10], $0x1400  }
0x35: {  	s18 =	sadd.s32 $0x1, s18;
	[sflag:s10] =	ssyncset.done $0x0  }
0x36: {  	p1 =	sne.s32 s18, s9;
	[sflag:s10] =	ssyncadd.s32 $0xFFFFEC00  }
.Ltmp1:
0x37: {  	s19 =	simm.s32 @!p0 $0x2;
	[bflag:$0x0] =	sbarrier.arrive $0xFFFF;
	(pc) =	sbr.rel @p1 .LBB2_1-.Ltmp1, $4  }
0x38: {  	[hbm:s8], [sflag:s12] =	dma.local @!p0 [spmem:s17], $0x1F40  }
0x39: {  	_ =	swait.ge @!p0 [sflag:s19], $0x1F40  }
0x3a: {  	[sflag:s19] =	ssyncset.done @!p0 $0x0  }
0x3b: {  	[sflag:s19] =	ssyncadd.s32 @!p0 $0xFFFFE0C0  }
0x3c: {  	_ =	sfence.sel $0x180000  }
0x3d: {  	[bflag:$0x0] =	sbarrier.arrive $0xFFFF  }
0x3e: {  	p0 =	sne.s32 s0, $0x0;
	_ =	strace $0x9000004A  }
0x3f: {  	s0 =	sadd.s32 @!p0 $0x100000, s1;
	[bflag:$0x2] =	sbarrier.arrive $0xFFFF  }
0x40: {  	[sflag:s0] =	ssyncadd.tile.s32 @!p0 $0x1;
	_ =	shalt  }
.Lfunc_end2:
_tile_overlayer_lowered:
.L_overlay_start_2:
0x41: {  	(tag) =	ssettag $0x2  }
0x42: {  	s0 =	rddreg [dreg:$0x0];
	s2 =	stileid.u32  }
0x43: {  	s1 =	rddreg [dreg:$0x1];
	p0 =	sne.s32 s2, $0x0  }
0x44: {  	s3 =	rddreg [dreg:$0x2];
	[bflag:$0x3] =	sbarrier.arrive $0xFFFF;
	s2 =	simm.s32 @!p0 $0x1C02  }
0x45: {  	[timem:s3], [sflag:s2] =	dma.local @!p0 [hbm:s0], s1  }
0x46: {  	s0 =	simm.s32 @!p0 $0x2  }
0x47: {  	_ =	swait.ge @!p0 [sflag:s0], s1  }
0x48: {  	s1 =	ssub.s32 @!p0 $0x0, s1;
	[sflag:s0] =	ssyncset.done @!p0 $0x0  }
0x49: {  	[sflag:s0] =	ssyncadd.s32 @!p0 s1  }
0x4a: {  	[bflag:$0x3] =	sbarrier.arrive $0xFFFF  }
0x4b: {  	_ =	shalt  }

// kernel: kernel.14.cloned.1.call-start
scs
__scs_entry_jumppad:
0x0: {  	(pc) =	sbr.rel $0x88, $3  }
0x1: {  	(tag) =	ssettag $0x0;
	lr =	simm.s32 $0x1  }
0x2: {  	[smem:$0x3F9B] =	sst lr;
	_ =	strace $0xD0000000  }
0x3: {  	_ = 	snop  }
0x4: {  	_ = 	snop  }
0x5: {  	_ = 	snop  }
0x6: {  	_ = 	snop  }
0x7: {  	_ = 	snop  }
__scs_overlays_trampoline_lowered:
0x8: {  	[smem:$0x3FAA] =	sst s0  }
0x9: {  	[smem:$0x3FAB] =	sst s1  }
0xa: {  	[smem:$0x3FAC] =	sst s2  }
0xb: {  	[smem:$0x3FAD] =	sst s3  }
0xc: {  	[smem:$0x3FAE] =	sst s4  }
0xd: {  	[smem:$0x3FAF] =	sst s5  }
0xe: {  	[smem:$0x3FB0] =	sst s6  }
0xf: {  	[smem:$0x3FB1] =	sst s7  }
0x10: {  	[smem:$0x3FB2] =	sst s8  }
0x11: {  	[smem:$0x3FB3] =	sst s9;
	s0 =	simm.s32 @!p0 $0x0  }
0x12: {  	s1 =	sld [smem:$0x3F99];
	s0 =	simm.s32 @p0 $0x1  }
0x13: {  	[smem:$0x3FB4] =	sst s0;
	s0 =	simm.s32 @!p1 $0x0  }
0x14: {  	s2 =	sld [smem:$0x3F98];
	s0 =	simm.s32 @p1 $0x1  }
0x15: {  	[smem:$0x3FB5] =	sst s0;
	s0 =	simm.s32 @!p2 $0x0  }
0x16: {  	s3 =	sld [smem:$0x3FDB];
	s0 =	simm.s32 @p2 $0x1  }
0x17: {  	s4 =	simm.s32 $0x1BF5;
	[smem:$0x3FB7] =	sst s0  }
0x18: {  	s0 =	sld [smem:$0x3F9A];
	_ =	swait.ge [sflag:s4], $0x0  }
0x19: {  	s7 =	sld [smem:$0x3F9B]  }
0x1a: {  	s8 =	sadd.s32 $0xFFFFE003, lr  }
0x1b: {  	s9 =	sadd.s32 $0xFFFFFEF7, lr;
	s5 =	simm.s32 $0xFFFFFFFF;
	p2 =	slt.u32 s8, $0xFFFFF086  }
0x1c: {  	p1 =	slt.u32 s9, $0xF7A;
	s5 =	simm.s32 @!p2 $0x0  }
0x1d: {  	s5 =	simm.s32 @p1 $0x1;
	p0 =	seq.s32 s7, s2  }
0x1e: {  	s7 =	smul.u32 @!p0 $0xF7A, s2;
	p2 =	seq.s32 @!p0 s5, $0x0  }
0x1f: {  	s9 =	smul.u32 $0xF7A, s1;
	s8 =	simm.s32 @!p0 $0x1BF5;
	p2 =	por !p2, p0  }
0x20: {  	[sflag:s8] =	ssyncset.s32 @!p0 $0xFFFFF086;
	s6 =	sadd.s32 @!p0 s3, s7;
	s7 =	simm.s32 @!p0 $0x108  }
0x21: {  	s3 =	sadd.s32 s3, s9;
	s6 =	sadd.s32 @!p0 $0x88, s6;
	s7 =	simm.s32 @p2 $0x1082  }
0x22: {  	[simem:s7], [sflag:s8] =	dma.local @!p0 [hbm:s6], $0xF7A  }
0x23: {  	s9 =	sor.u32 $0xD0000000, s2;
	s6 =	simm.s32 $0x108;
	_ =	swait.ge @!p0 [sflag:s8], $0x0  }
0x24: {  	s3 =	sadd.s32 $0x88, s3;
	s6 =	simm.s32 @!p1 $0x1082;
	[sflag:s4] =	ssyncset.s32 $0xFFFFF086  }
0x25: {  	[simem:s6], [sflag:s4] =	dma.local [hbm:s3], $0xF7A  }
0x26: {  	[smem:$0x3F9B] =	sst s1;
	(tag) =	ssettag s2;
	_ =	strace s9  }
0x27: {  	s1 =	sld [smem:$0x3FAB]  }
0x28: {  	s2 =	sld [smem:$0x3FAC]  }
0x29: {  	s4 =	sld [smem:$0x3FAE]  }
0x2a: {  	p0 =	seq.s32 s5, $0x0;
	s5 =	sld [smem:$0x3FAF]  }
0x2b: {  	s6 =	sld [smem:$0x3FB0]  }
0x2c: {  	s7 =	sld [smem:$0x3FB1]  }
0x2d: {  	s3 =	simm.s32 $0x108;
	s8 =	sld [smem:$0x3FB2]  }
0x2e: {  	s3 =	simm.s32 @!p0 $0x1082;
	s9 =	sld [smem:$0x3FB3]  }
0x2f: {  	lr =	sadd.s32 s0, s3;
	s0 =	sld [smem:$0x3FAA]  }
0x30: {  	s3 =	sld [smem:$0x3FAD]  }
0x31: {  	[smem:$0x3FB6] =	sst s10  }
0x32: {  	s10 =	sld [smem:$0x3FB4];
	_ =	sdelay $0x3  }
0x33: {  	p0 =	seq.s32 s10, $0x1;
	s10 =	sld [smem:$0x3FB6];
	_ =	sdelay $0x3  }
0x34: {  	[smem:$0x3FB6] =	sst s10  }
0x35: {  	s10 =	sld [smem:$0x3FB5];
	_ =	sdelay $0x3  }
0x36: {  	p1 =	seq.s32 s10, $0x1;
	s10 =	sld [smem:$0x3FB6];
	_ =	sdelay $0x3  }
0x37: {  	[smem:$0x3FB6] =	sst s10  }
0x38: {  	s10 =	sld [smem:$0x3FB7]  }
0x39: {  	_ = 	snop;
	(pc) =	sbr.ind lr, $3  }
0x3a: {  	_ = 	snop  }
0x3b: {  	_ = 	snop  }
0x3c: {  	p2 =	seq.s32 s10, $0x1;
	s10 =	sld [smem:$0x3FB6]  }
0x3d: {  	_ =	shalt  }
0x3e: {  	_ =	shalt  }
0x3f: {  	_ =	shalt  }
0x40: {  	_ =	shalt  }
0x41: {  	_ =	shalt  }
0x42: {  	_ =	shalt  }
0x43: {  	_ =	shalt  }
0x44: {  	_ =	shalt  }
0x45: {  	_ =	shalt  }
0x46: {  	_ =	shalt  }
0x47: {  	_ =	shalt  }
0x48: {  	_ =	shalt  }
0x49: {  	_ =	shalt  }
0x4a: {  	_ =	shalt  }
0x4b: {  	_ =	shalt  }
0x4c: {  	_ =	shalt  }
0x4d: {  	_ =	shalt  }
0x4e: {  	_ =	shalt  }
0x4f: {  	_ =	shalt  }
0x50: {  	_ =	shalt  }
0x51: {  	_ =	shalt  }
0x52: {  	_ =	shalt  }
0x53: {  	_ =	shalt  }
0x54: {  	_ =	shalt  }
0x55: {  	_ =	shalt  }
0x56: {  	_ =	shalt  }
0x57: {  	_ =	shalt  }
0x58: {  	_ =	shalt  }
0x59: {  	_ =	shalt  }
0x5a: {  	_ =	shalt  }
0x5b: {  	_ =	shalt  }
0x5c: {  	_ =	shalt  }
0x5d: {  	_ =	shalt  }
0x5e: {  	_ =	shalt  }
0x5f: {  	_ =	shalt  }
0x60: {  	_ =	shalt  }
0x61: {  	_ =	shalt  }
0x62: {  	_ =	shalt  }
0x63: {  	_ =	shalt  }
0x64: {  	_ =	shalt  }
0x65: {  	_ =	shalt  }
0x66: {  	_ =	shalt  }
0x67: {  	_ =	shalt  }
0x68: {  	_ =	shalt  }
0x69: {  	_ =	shalt  }
0x6a: {  	_ =	shalt  }
0x6b: {  	_ =	shalt  }
0x6c: {  	_ =	shalt  }
0x6d: {  	_ =	shalt  }
0x6e: {  	_ =	shalt  }
0x6f: {  	_ =	shalt  }
0x70: {  	_ =	shalt  }
0x71: {  	_ =	shalt  }
0x72: {  	_ =	shalt  }
0x73: {  	_ =	shalt  }
0x74: {  	_ =	shalt  }
0x75: {  	_ =	shalt  }
0x76: {  	_ =	shalt  }
0x77: {  	_ =	shalt  }
0x78: {  	_ =	shalt  }
0x79: {  	_ =	shalt  }
0x7a: {  	_ =	shalt  }
0x7b: {  	_ =	shalt  }
0x7c: {  	_ =	shalt  }
0x7d: {  	_ =	shalt  }
0x7e: {  	_ =	shalt  }
0x7f: {  	_ =	shalt  }
0x80: {  	_ =	shalt  }
0x81: {  	_ =	shalt  }
0x82: {  	_ =	shalt  }
0x83: {  	_ =	shalt  }
0x84: {  	_ =	shalt  }
0x85: {  	_ =	shalt  }
0x86: {  	_ =	shalt  }
0x87: {  	_ =	shalt  }
.Lfunc_end0:
.L_simem_size_0:
called_computation.2_lowered:
.L_overlay_start_0:
0x88: {  	s2 =	sld [smem:$0x3FD9]  }
0x89: {  	s3 =	sld [smem:$0x3FFE];
	_ =	sdelay $0x1  }
0x8a: {  	s1 =	srdreg.scid  }
0x8b: {  	s0 =	sand.u32 $0x1, s1  }
0x8c: {  	s17 =	sshll.u32 s0, $0xA;
	s2 =	sadd.s32 s3, s2  }
0x8d: {  	s2 =	sadd.s32 s2, s17  }
0x8e: {  	[smem:$0x3FC2] =	sst s2  }
0x8f: {  	_ = 	snop  }
0x90: {  	s2 =	sld [smem:$0x3FD0];
	(tm) =	ssettm $0x1  }
0x91: {  	s18 =	sld [smem:$0x3FFB];
	_ =	sdelay $0x3  }
0x92: {  	_ =	strace s18  }
0x93: {  	s3 =	sld [smem:$0x3FFC];
	_ =	sdelay $0x3  }
0x94: {  	_ =	strace s3  }
0x95: {  	s3 =	sld [smem:$0x3FFD];
	_ =	sdelay $0x3  }
0x96: {  	_ =	strace s3  }
0x97: {  	_ =	strace $0x8FFFFFFF  }
0x98: {  	s19 =	sld [smem:$0x3FDB];
	_ =	sdelay $0x1  }
0x99: {  	s4 =	simm.s32 $_scs_section_size  }
0x9a: {  	s5 =	simm.s32 $_size__tile_overlayer_lowered;
	s6 =	simm.s32 $_tile_overlayer_lowered  }
0x9b: {  	s22 =	simm.s32 $0x1BFF;
	s21 =	sshll.u32 s6, $0x1;
	s3 =	sadd.s32 s4, s19  }
0x9c: {  	s7 =	simm.s32 $0x0;
	s20 =	sshll.u32 s5, $0x1;
	s5 =	sadd.s32 s21, s3  }
0x9d: {  	[timem:s7], [sflag:s22] =	dma.local [hbm:s5], s20  }
0x9e: {  	_ =	swait.ge [sflag:s22], s20  }
0x9f: {  	s4 =	ssub.s32 $0x0, s20;
	[sflag:s22] =	ssyncset.done $0x0  }
0xa0: {  	[sflag:s22] =	ssyncadd.s32 s4;
	_ =	sdelay $0x1  }
0xa1: {  	s23 =	simm.s32 $0x1B8B  }
0xa2: {  	_ =	swait.ge [sflag:s23], $0x1  }
0xa3: {  	[sflag:s23] =	ssyncset.done $0x0  }
0xa4: {  	s25 =	simm.s32 $0x1B8E;
	s24 =	sld [smem:$0x3FFE];
	[sflag:s23] =	ssyncadd.s32 $0xFFFFFFFF  }
0xa5: {  	s26 =	simm.s32 $execute0_lowered;
	[smem:$0x3FD2] =	sst s25  }
0xa6: {  	s5 =	sshll.u32 s26, $0x1;
	_ =	strace $0x8000004C;
	[dreg:$0x1] =	wrdreg $0xFFFFFFFF  }
0xa7: {  	s28 =	simm.s32 $_size_execute0_lowered;
	s3 =	sadd.s32 s3, s5;
	[dreg:$0x0] =	wrdreg $0x0  }
0xa8: {  	s5 =	sshll.u32 s28, $0x1;
	[dreg:$0x2] =	wrdreg s3  }
0xa9: {  	[dreg:$0x3] =	wrdreg s5  }
0xaa: {  	[dreg:$0x4] =	wrdreg $0xC0  }
0xab: {  	_ =	task [dreg:s7], $0x5FFFF  }
0xac: {  	[dreg:$0x1] =	wrdreg $0xFFFFFFFF  }
0xad: {  	[dreg:$0x0] =	wrdreg $0x60  }
0xae: {  	[dreg:$0x2] =	wrdreg s24  }
0xaf: {  	[dreg:$0x3] =	wrdreg s2  }
0xb0: {  	[dreg:$0x4] =	wrdreg $0x58200  }
0xb1: {  	[dreg:$0x5] =	wrdreg $0x9  }
0xb2: {  	_ =	task.clear_ibuf [dreg:s7], $0x6FFFF;
	_ =	strace $0x9000004C  }
0xb3: {  	s29 =	simm.s32 $0x9;
	_ =	strace $0x8000004E  }
0xb4: {  	_ =	swait.ge [sflag:s29], $0x1  }
0xb5: {  	[sflag:s29] =	ssyncadd.s32 $0xFFFFFFFF  }
0xb6: {  	_ =	strace $0x9000004E  }
0xb7: {  	_ =	sfence  }
0xb8: {  	s30 =	sld [smem:$0x0];
	_ =	sdelay $0x2  }
0xb9: {  	s31 =	sshll.u32 s1, $0xD;
	s1 =	sshrl.u32 s1, $0x2  }
0xba: {  	s3 =	sand.u32 $0x4000, s31;
	s1 =	sadd.s32 s1, s30  }
0xbb: {  	s0 =	sor.u32 s3, s0;
	s1 =	sshll.u32 s1, $0x11  }
0xbc: {  	s0 =	sor.u32 s1, s0  }
0xbd: {  	s0 =	sadd.s32 $0x8F2B, s0  }
0xbe: {  	[sflag:s0] =	ssyncadd.remote.s32 $0x1  }
0xbf: {  	_ =	sfence.sel $0xFFFF  }
0xc0: {  	[dreg:$0x0] =	wrdreg $0xFFFFFFFF;
	(pc) =	sbr.abs _section_cstart, $3  }
0xc1: {  	[dreg:$0x1] =	wrdreg $0xFFFFFFFF  }
0xc2: {  	_ =	task.clear_ibuf [dreg:s7], $0x2FFFF;
	_ =	strace $0x9FFFFFFF  }
0xc3: {  	(tm) =	ssettm $0x7FFFFFFF  }
tec
execute0_lowered:
.L_overlay_start_1:
0x0: {  	(tag) =	ssettag $0x1  }
0x1: {  	s6 =	rddreg [dreg:$0x0]  }
0x2: {  	s7 =	rddreg [dreg:$0x1]  }
0x3: {  	s0 =	srdreg.scid;
	s2 =	rddreg [dreg:$0x2]  }
0x4: {  	s3 =	simm.s32 $0x0;
	s15 =	simm.s32 $0x4E20;
	s16 =	simm.s32 $0x1  }
0x5: {  	s18 =	simm.s32 $0x0;
	s5 =	sand.u32 $0x1, s0;
	s0 =	stileid.u32  }
0x6: {  	[smem:$0x7FF] =	sst s3;
	s4 =	sadd.s32 $0xB400, s6;
	s9 =	smul.u32 $0x4E200, s5  }
0x7: {  	s1 =	sshll.u32 s5, $0x4;
	s10 =	smul.u32 $0x7D00, s0;
	s12 =	ssub.s32 $0x2, s5  }
0x8: {  	s14 =	smul.u32 $0x1F400, s0;
	s5 =	sadd.s32 $0x15200, s6;
	s1 =	sor.u32 s0, s1  }
0x9: {  	p0 =	sgt.u32 s0, $0x9;
	s13 =	sshrl.u32 s12, $0x1;
	s8 =	smul.u32 $0x4E2, s1  }
0xa: {  	s1 =	rddreg [dreg:$0x3];
	_ =	strace $0x8000004D;
	s9 =	sadd.s32 s10, s9  }
0xb: {  	s12 =	ssub.s32 s12, s13;
	s31 =	sshrl.u32 s14, $0x2;
	s17 =	sadd.s32 s10, s2  }
0xc: {  	s10 =	simm.s32 $0x2;
	s14 =	simm.s32 $0x50;
	s9 =	sshrl.u32 s9, $0x3  }
0xd: {  	s13 =	sadd.s32 s31, s2;
	s17 =	sshrl.u32 @!p0 s17, $0x3;
	s11 =	sadd.s32 s8, s6  }
0xe: {  	s9 =	sadd.s32 s9, s6;
	s6 =	sadd.s32 s7, s8;
	s13 =	sshrl.u32 @!p0 s13, $0x3  }
0xf: {  	s8 =	sadd.s32 $0x16200, s9;
	s9 =	smax.u32 s12, $0x1;
	s12 =	sshll.u32 @!p0 s0, $0x6  }
0x10: {  	s7 =	sadd.s32 $0x1600, s11;
	s11 =	simm.s32 $0x2710;
	s12 =	sor.u32 @!p0 $0x1C02, s12  }
.LBB2_1:
0x11: {  	[tilespmem:s3], [sflag:$0x2] =	stream.linear.gather [hbm4b:s6+s3], $0x2710, $0x38;
	[tilespmem:$0xA640] =	vst v63  }
0x12: {  	_ =	swait.ge [sflag:s10], $0x2710  }
0x13: {  	[sflag:s10] =	ssyncset.done $0x0  }
0x14: {  	[sflag:s10] =	ssyncadd.s32 $0xFFFFD8F0  }
0x15: {  	[tilespmem:s11], [sflag:$0x2] =	stream.linear.gather [hbm4b:s7+s3], $0x2710, $0x38;
	[tilespmem:$0xA640] =	vst v63  }
0x16: {  	_ =	swait.ge [sflag:s10], $0x2710  }
0x17: {  	[sflag:s10] =	ssyncset.done $0x0  }
0x18: {  	s19 =	simm.s32 @!p0 $0x2;
	[sflag:s10] =	ssyncadd.s32 $0xFFFFD8F0  }
0x19: {  	[spmem:s13], [sflag:s12] =	dma.local @!p0 [hbm:s5], $0xFA0  }
0x1a: {  	_ =	swait.ge @!p0 [sflag:s19], $0xFA0  }
0x1b: {  	[sflag:s19] =	ssyncset.done @!p0 $0x0  }
0x1c: {  	[sflag:s19] =	ssyncadd.s32 @!p0 $0xFFFFF060  }
0x1d: {  	s30 =	simm.s32 $0x0;
	[bflag:$0x0] =	sbarrier.arrive $0xFFFF  }
0x1e: {  	[tilespmem:s15], [sflag:$0x1] =	stream.indirect.gather [hbm4b:s4+s14], $0x20, s30, s14, $0xb8;
	[tilespmem:$0xA640] =	vst v63  }
0x1f: {  	_ =	swait.ge [sflag:s16], $0xA00  }
0x20: {  	[sflag:s16] =	ssyncset.done $0x0  }
0x21: {  	s31 =	simm.s32 $0x2710;
	[sflag:s16] =	ssyncadd.s32 $0xFFFFF600  }
0x22: {  	[spmem:s2] =	stream.indirect.scatter.add.f32 [tilespmem:s15], [sflag:$0x2], $0x20, s31, s14, $0xb8;
	[tilespmem:$0xA640] =	vst v63  }
0x23: {  	_ =	swait.ge [sflag:s10], $0xA00  }
0x24: {  	s20 =	simm.s32 $0x280;
	s19 =	simm.s32 $0x140;
	[sflag:s10] =	ssyncset.done $0x0  }
.LBB2_2:
0x25: {  	s21 =	sshra.s32 s19, $0x2  }
0x26: {  	[sflag:s10] =	ssyncadd.s32 $0xFFFFF600;
	s19 =	smov.u32 s20;
	s22 =	sadd.s32 $0x140, s20  }
0x27: {  	[tilespmem:s15], [sflag:$0x1] =	stream.indirect.gather [hbm4b:s4+s14], $0x20, s21, s14, $0xb8;
	[tilespmem:$0xA640] =	vst v63  }
0x28: {  	p1 =	sne.s32 s20, $0x9B00;
	_ =	swait.ge [sflag:s16], $0xA00  }
.Ltmp0:
0x29: {  	[sflag:s16] =	ssyncset.done $0x0;
	(pc) =	sbr.rel @p1 .LBB2_2-.Ltmp0, $4  }
0x2a: {  	s20 =	sadd.s32 $0x2710, s21;
	[sflag:s16] =	ssyncadd.s32 $0xFFFFF600  }
0x2b: {  	[spmem:s2] =	stream.indirect.scatter.add.f32 [tilespmem:s15], [sflag:$0x2], $0x20, s20, s14, $0xb8;
	[tilespmem:$0xA640] =	vst v63  }
0x2c: {  	_ =	swait.ge [sflag:s10], $0xA00  }
0x2d: {  	s20 =	smov.u32 s22;
	[sflag:s10] =	ssyncset.done $0x0  }
0x2e: {  	s19 =	sshra.s32 s19, $0x2;
	[sflag:s10] =	ssyncadd.s32 $0xFFFFF600  }
0x2f: {  	[tilespmem:s15], [sflag:$0x1] =	stream.indirect.gather [hbm4b:s4+s14], $0x20, s19, s14, $0xb8;
	[tilespmem:$0xA640] =	vst v63  }
0x30: {  	_ =	swait.ge [sflag:s16], $0xA00  }
0x31: {  	[sflag:s16] =	ssyncset.done $0x0  }
0x32: {  	s19 =	sadd.s32 $0x2710, s19;
	[sflag:s16] =	ssyncadd.s32 $0xFFFFF600  }
0x33: {  	[spmem:s2] =	stream.indirect.scatter.add.f32 [tilespmem:s15], [sflag:$0x2], $0x20, s19, s14, $0xb8;
	[tilespmem:$0xA640] =	vst v63  }
0x34: {  	_ =	swait.ge [sflag:s10], $0xA00  }
0x35: {  	s18 =	sadd.s32 $0x1, s18;
	[sflag:s10] =	ssyncset.done $0x0  }
0x36: {  	p1 =	sne.s32 s18, s9;
	[sflag:s10] =	ssyncadd.s32 $0xFFFFF600  }
.Ltmp1:
0x37: {  	s19 =	simm.s32 @!p0 $0x2;
	[bflag:$0x0] =	sbarrier.arrive $0xFFFF;
	(pc) =	sbr.rel @p1 .LBB2_1-.Ltmp1, $4  }
0x38: {  	[hbm:s8], [sflag:s12] =	dma.local @!p0 [spmem:s17], $0xFA0  }
0x39: {  	_ =	swait.ge @!p0 [sflag:s19], $0xFA0  }
0x3a: {  	[sflag:s19] =	ssyncset.done @!p0 $0x0  }
0x3b: {  	[sflag:s19] =	ssyncadd.s32 @!p0 $0xFFFFF060  }
0x3c: {  	_ =	sfence.sel $0x180000  }
0x3d: {  	[bflag:$0x0] =	sbarrier.arrive $0xFFFF  }
0x3e: {  	p0 =	sne.s32 s0, $0x0;
	_ =	strace $0x9000004D  }
0x3f: {  	s0 =	sadd.s32 @!p0 $0x100000, s1;
	[bflag:$0x2] =	sbarrier.arrive $0xFFFF  }
0x40: {  	[sflag:s0] =	ssyncadd.tile.s32 @!p0 $0x1;
	_ =	shalt  }
.Lfunc_end2:
_tile_overlayer_lowered:
.L_overlay_start_2:
0x41: {  	(tag) =	ssettag $0x2  }
0x42: {  	s0 =	rddreg [dreg:$0x0];
	s2 =	stileid.u32  }
0x43: {  	s1 =	rddreg [dreg:$0x1];
	p0 =	sne.s32 s2, $0x0  }
0x44: {  	s3 =	rddreg [dreg:$0x2];
	[bflag:$0x3] =	sbarrier.arrive $0xFFFF;
	s2 =	simm.s32 @!p0 $0x1C02  }
0x45: {  	[timem:s3], [sflag:s2] =	dma.local @!p0 [hbm:s0], s1  }
0x46: {  	s0 =	simm.s32 @!p0 $0x2  }
0x47: {  	_ =	swait.ge @!p0 [sflag:s0], s1  }
0x48: {  	s1 =	ssub.s32 @!p0 $0x0, s1;
	[sflag:s0] =	ssyncset.done @!p0 $0x0  }
0x49: {  	[sflag:s0] =	ssyncadd.s32 @!p0 s1  }
0x4a: {  	[bflag:$0x3] =	sbarrier.arrive $0xFFFF  }
0x4b: {  	_ =	shalt  }

// kernel: kernel.8.cloned.1.call-start
scs
__scs_entry_jumppad:
0x0: {  	(pc) =	sbr.rel $0x88, $3  }
0x1: {  	(tag) =	ssettag $0x0;
	lr =	simm.s32 $0x1  }
0x2: {  	[smem:$0x3F9B] =	sst lr;
	_ =	strace $0xD0000000  }
0x3: {  	_ = 	snop  }
0x4: {  	_ = 	snop  }
0x5: {  	_ = 	snop  }
0x6: {  	_ = 	snop  }
0x7: {  	_ = 	snop  }
__scs_overlays_trampoline_lowered:
0x8: {  	[smem:$0x3FAA] =	sst s0  }
0x9: {  	[smem:$0x3FAB] =	sst s1  }
0xa: {  	[smem:$0x3FAC] =	sst s2  }
0xb: {  	[smem:$0x3FAD] =	sst s3  }
0xc: {  	[smem:$0x3FAE] =	sst s4  }
0xd: {  	[smem:$0x3FAF] =	sst s5  }
0xe: {  	[smem:$0x3FB0] =	sst s6  }
0xf: {  	[smem:$0x3FB1] =	sst s7  }
0x10: {  	[smem:$0x3FB2] =	sst s8  }
0x11: {  	[smem:$0x3FB3] =	sst s9;
	s0 =	simm.s32 @!p0 $0x0  }
0x12: {  	s1 =	sld [smem:$0x3F99];
	s0 =	simm.s32 @p0 $0x1  }
0x13: {  	[smem:$0x3FB4] =	sst s0;
	s0 =	simm.s32 @!p1 $0x0  }
0x14: {  	s2 =	sld [smem:$0x3F98];
	s0 =	simm.s32 @p1 $0x1  }
0x15: {  	[smem:$0x3FB5] =	sst s0;
	s0 =	simm.s32 @!p2 $0x0  }
0x16: {  	s3 =	sld [smem:$0x3FDB];
	s0 =	simm.s32 @p2 $0x1  }
0x17: {  	s4 =	simm.s32 $0x1BF5;
	[smem:$0x3FB7] =	sst s0  }
0x18: {  	s0 =	sld [smem:$0x3F9A];
	_ =	swait.ge [sflag:s4], $0x0  }
0x19: {  	s7 =	sld [smem:$0x3F9B]  }
0x1a: {  	s8 =	sadd.s32 $0xFFFFE003, lr  }
0x1b: {  	s9 =	sadd.s32 $0xFFFFFEF7, lr;
	s5 =	simm.s32 $0xFFFFFFFF;
	p2 =	slt.u32 s8, $0xFFFFF086  }
0x1c: {  	p1 =	slt.u32 s9, $0xF7A;
	s5 =	simm.s32 @!p2 $0x0  }
0x1d: {  	s5 =	simm.s32 @p1 $0x1;
	p0 =	seq.s32 s7, s2  }
0x1e: {  	s7 =	smul.u32 @!p0 $0xF7A, s2;
	p2 =	seq.s32 @!p0 s5, $0x0  }
0x1f: {  	s9 =	smul.u32 $0xF7A, s1;
	s8 =	simm.s32 @!p0 $0x1BF5;
	p2 =	por !p2, p0  }
0x20: {  	[sflag:s8] =	ssyncset.s32 @!p0 $0xFFFFF086;
	s6 =	sadd.s32 @!p0 s3, s7;
	s7 =	simm.s32 @!p0 $0x108  }
0x21: {  	s3 =	sadd.s32 s3, s9;
	s6 =	sadd.s32 @!p0 $0x88, s6;
	s7 =	simm.s32 @p2 $0x1082  }
0x22: {  	[simem:s7], [sflag:s8] =	dma.local @!p0 [hbm:s6], $0xF7A  }
0x23: {  	s9 =	sor.u32 $0xD0000000, s2;
	s6 =	simm.s32 $0x108;
	_ =	swait.ge @!p0 [sflag:s8], $0x0  }
0x24: {  	s3 =	sadd.s32 $0x88, s3;
	s6 =	simm.s32 @!p1 $0x1082;
	[sflag:s4] =	ssyncset.s32 $0xFFFFF086  }
0x25: {  	[simem:s6], [sflag:s4] =	dma.local [hbm:s3], $0xF7A  }
0x26: {  	[smem:$0x3F9B] =	sst s1;
	(tag) =	ssettag s2;
	_ =	strace s9  }
0x27: {  	s1 =	sld [smem:$0x3FAB]  }
0x28: {  	s2 =	sld [smem:$0x3FAC]  }
0x29: {  	s4 =	sld [smem:$0x3FAE]  }
0x2a: {  	p0 =	seq.s32 s5, $0x0;
	s5 =	sld [smem:$0x3FAF]  }
0x2b: {  	s6 =	sld [smem:$0x3FB0]  }
0x2c: {  	s7 =	sld [smem:$0x3FB1]  }
0x2d: {  	s3 =	simm.s32 $0x108;
	s8 =	sld [smem:$0x3FB2]  }
0x2e: {  	s3 =	simm.s32 @!p0 $0x1082;
	s9 =	sld [smem:$0x3FB3]  }
0x2f: {  	lr =	sadd.s32 s0, s3;
	s0 =	sld [smem:$0x3FAA]  }
0x30: {  	s3 =	sld [smem:$0x3FAD]  }
0x31: {  	[smem:$0x3FB6] =	sst s10  }
0x32: {  	s10 =	sld [smem:$0x3FB4];
	_ =	sdelay $0x3  }
0x33: {  	p0 =	seq.s32 s10, $0x1;
	s10 =	sld [smem:$0x3FB6];
	_ =	sdelay $0x3  }
0x34: {  	[smem:$0x3FB6] =	sst s10  }
0x35: {  	s10 =	sld [smem:$0x3FB5];
	_ =	sdelay $0x3  }
0x36: {  	p1 =	seq.s32 s10, $0x1;
	s10 =	sld [smem:$0x3FB6];
	_ =	sdelay $0x3  }
0x37: {  	[smem:$0x3FB6] =	sst s10  }
0x38: {  	s10 =	sld [smem:$0x3FB7]  }
0x39: {  	_ = 	snop;
	(pc) =	sbr.ind lr, $3  }
0x3a: {  	_ = 	snop  }
0x3b: {  	_ = 	snop  }
0x3c: {  	p2 =	seq.s32 s10, $0x1;
	s10 =	sld [smem:$0x3FB6]  }
0x3d: {  	_ =	shalt  }
0x3e: {  	_ =	shalt  }
0x3f: {  	_ =	shalt  }
0x40: {  	_ =	shalt  }
0x41: {  	_ =	shalt  }
0x42: {  	_ =	shalt  }
0x43: {  	_ =	shalt  }
0x44: {  	_ =	shalt  }
0x45: {  	_ =	shalt  }
0x46: {  	_ =	shalt  }
0x47: {  	_ =	shalt  }
0x48: {  	_ =	shalt  }
0x49: {  	_ =	shalt  }
0x4a: {  	_ =	shalt  }
0x4b: {  	_ =	shalt  }
0x4c: {  	_ =	shalt  }
0x4d: {  	_ =	shalt  }
0x4e: {  	_ =	shalt  }
0x4f: {  	_ =	shalt  }
0x50: {  	_ =	shalt  }
0x51: {  	_ =	shalt  }
0x52: {  	_ =	shalt  }
0x53: {  	_ =	shalt  }
0x54: {  	_ =	shalt  }
0x55: {  	_ =	shalt  }
0x56: {  	_ =	shalt  }
0x57: {  	_ =	shalt  }
0x58: {  	_ =	shalt  }
0x59: {  	_ =	shalt  }
0x5a: {  	_ =	shalt  }
0x5b: {  	_ =	shalt  }
0x5c: {  	_ =	shalt  }
0x5d: {  	_ =	shalt  }
0x5e: {  	_ =	shalt  }
0x5f: {  	_ =	shalt  }
0x60: {  	_ =	shalt  }
0x61: {  	_ =	shalt  }
0x62: {  	_ =	shalt  }
0x63: {  	_ =	shalt  }
0x64: {  	_ =	shalt  }
0x65: {  	_ =	shalt  }
0x66: {  	_ =	shalt  }
0x67: {  	_ =	shalt  }
0x68: {  	_ =	shalt  }
0x69: {  	_ =	shalt  }
0x6a: {  	_ =	shalt  }
0x6b: {  	_ =	shalt  }
0x6c: {  	_ =	shalt  }
0x6d: {  	_ =	shalt  }
0x6e: {  	_ =	shalt  }
0x6f: {  	_ =	shalt  }
0x70: {  	_ =	shalt  }
0x71: {  	_ =	shalt  }
0x72: {  	_ =	shalt  }
0x73: {  	_ =	shalt  }
0x74: {  	_ =	shalt  }
0x75: {  	_ =	shalt  }
0x76: {  	_ =	shalt  }
0x77: {  	_ =	shalt  }
0x78: {  	_ =	shalt  }
0x79: {  	_ =	shalt  }
0x7a: {  	_ =	shalt  }
0x7b: {  	_ =	shalt  }
0x7c: {  	_ =	shalt  }
0x7d: {  	_ =	shalt  }
0x7e: {  	_ =	shalt  }
0x7f: {  	_ =	shalt  }
0x80: {  	_ =	shalt  }
0x81: {  	_ =	shalt  }
0x82: {  	_ =	shalt  }
0x83: {  	_ =	shalt  }
0x84: {  	_ =	shalt  }
0x85: {  	_ =	shalt  }
0x86: {  	_ =	shalt  }
0x87: {  	_ =	shalt  }
.Lfunc_end0:
.L_simem_size_0:
called_computation_lowered:
.L_overlay_start_0:
0x88: {  	s2 =	sld [smem:$0x3FD9]  }
0x89: {  	s3 =	sld [smem:$0x3FFE];
	_ =	sdelay $0x1  }
0x8a: {  	s1 =	srdreg.scid  }
0x8b: {  	s0 =	sand.u32 $0x1, s1  }
0x8c: {  	s16 =	sshll.u32 s0, $0xA;
	s2 =	sadd.s32 s3, s2  }
0x8d: {  	s2 =	sadd.s32 s2, s16  }
0x8e: {  	[smem:$0x3FC2] =	sst s2  }
0x8f: {  	_ = 	snop  }
0x90: {  	(tm) =	ssettm $0x1  }
0x91: {  	s17 =	sld [smem:$0x3FFB];
	_ =	sdelay $0x3  }
0x92: {  	_ =	strace s17  }
0x93: {  	s2 =	sld [smem:$0x3FFC];
	_ =	sdelay $0x3  }
0x94: {  	_ =	strace s2  }
0x95: {  	s2 =	sld [smem:$0x3FFD];
	_ =	sdelay $0x3  }
0x96: {  	_ =	strace s2  }
0x97: {  	_ =	strace $0x8FFFFFFF  }
0x98: {  	s18 =	sld [smem:$0x3FDB];
	_ =	sdelay $0x1  }
0x99: {  	s19 =	simm.s32 $_scs_section_size  }
0x9a: {  	s4 =	simm.s32 $_size__tile_overlayer_lowered;
	s5 =	simm.s32 $_tile_overlayer_lowered  }
0x9b: {  	s22 =	simm.s32 $0x1BFF;
	s21 =	sshll.u32 s5, $0x1;
	s2 =	sadd.s32 s19, s18  }
0x9c: {  	s6 =	simm.s32 $0x0;
	s20 =	sshll.u32 s4, $0x1;
	s4 =	sadd.s32 s21, s2  }
0x9d: {  	[timem:s6], [sflag:s22] =	dma.local [hbm:s4], s20  }
0x9e: {  	_ =	swait.ge [sflag:s22], s20  }
0x9f: {  	s3 =	ssub.s32 $0x0, s20;
	[sflag:s22] =	ssyncset.done $0x0  }
0xa0: {  	[sflag:s22] =	ssyncadd.s32 s3;
	_ =	sdelay $0x1  }
0xa1: {  	s23 =	simm.s32 $0x1B8B  }
0xa2: {  	_ =	swait.ge [sflag:s23], $0x1  }
0xa3: {  	[sflag:s23] =	ssyncset.done $0x0  }
0xa4: {  	s25 =	simm.s32 $0x1B8E;
	s24 =	sld [smem:$0x3FFE];
	[sflag:s23] =	ssyncadd.s32 $0xFFFFFFFF  }
0xa5: {  	s26 =	simm.s32 $execute0_lowered;
	[smem:$0x3FD2] =	sst s25  }
0xa6: {  	s4 =	sshll.u32 s26, $0x1;
	_ =	strace $0x80000046;
	[dreg:$0x1] =	wrdreg $0xFFFFFFFF  }
0xa7: {  	s28 =	simm.s32 $_size_execute0_lowered;
	s2 =	sadd.s32 s2, s4;
	[dreg:$0x0] =	wrdreg $0x0  }
0xa8: {  	s4 =	sshll.u32 s28, $0x1;
	[dreg:$0x2] =	wrdreg s2  }
0xa9: {  	[dreg:$0x3] =	wrdreg s4  }
0xaa: {  	[dreg:$0x4] =	wrdreg $0xC0  }
0xab: {  	_ =	task [dreg:s6], $0x5FFFF  }
0xac: {  	[dreg:$0x1] =	wrdreg $0xFFFFFFFF  }
0xad: {  	[dreg:$0x0] =	wrdreg $0x60  }
0xae: {  	[dreg:$0x2] =	wrdreg s24  }
0xaf: {  	[dreg:$0x3] =	wrdreg $0x29900  }
0xb0: {  	[dreg:$0x4] =	wrdreg $0x9  }
0xb1: {  	_ =	task.clear_ibuf [dreg:s6], $0x5FFFF;
	_ =	strace $0x90000046  }
0xb2: {  	s29 =	simm.s32 $0x9;
	_ =	strace $0x80000048  }
0xb3: {  	_ =	swait.ge [sflag:s29], $0x1  }
0xb4: {  	[sflag:s29] =	ssyncadd.s32 $0xFFFFFFFF  }
0xb5: {  	_ =	strace $0x90000048  }
0xb6: {  	_ =	sfence  }
0xb7: {  	s30 =	sld [smem:$0x0];
	_ =	sdelay $0x2  }
0xb8: {  	s31 =	sshll.u32 s1, $0xD;
	s1 =	sshrl.u32 s1, $0x2  }
0xb9: {  	s3 =	sand.u32 $0x4000, s31;
	s1 =	sadd.s32 s1, s30  }
0xba: {  	s0 =	sor.u32 s3, s0;
	s1 =	sshll.u32 s1, $0x11  }
0xbb: {  	s0 =	sor.u32 s1, s0  }
0xbc: {  	s0 =	sadd.s32 $0x8F2B, s0  }
0xbd: {  	[sflag:s0] =	ssyncadd.remote.s32 $0x1  }
0xbe: {  	_ =	sfence.sel $0xFFFF  }
0xbf: {  	[dreg:$0x0] =	wrdreg $0xFFFFFFFF;
	(pc) =	sbr.abs _section_cstart, $3  }
0xc0: {  	[dreg:$0x1] =	wrdreg $0xFFFFFFFF  }
0xc1: {  	_ =	task.clear_ibuf [dreg:s6], $0x2FFFF;
	_ =	strace $0x9FFFFFFF  }
0xc2: {  	(tm) =	ssettm $0x7FFFFFFF  }
0xc3: {  	_ =	shalt  }
tec
execute0_lowered:
.L_overlay_start_1:
0x0: {  	(tag) =	ssettag $0x1  }
0x1: {  	s7 =	rddreg [dreg:$0x0]  }
0x2: {  	s0 =	srdreg.scid;
	s2 =	rddreg [dreg:$0x1]  }
0x3: {  	s3 =	simm.s32 $0x0;
	s13 =	simm.s32 $0x50;
	s6 =	sand.u32 $0x1, s0  }
0x4: {  	s15 =	simm.s32 $0x0;
	s0 =	stileid.u32;
	s5 =	smul.u32 $0x13880, s6  }
0x5: {  	[smem:$0x7FF] =	sst s3;
	s1 =	sshll.u32 s6, $0x4;
	s8 =	smul.u32 $0x1F40, s0  }
0x6: {  	s11 =	smul.u32 $0x7D00, s0;
	s6 =	ssub.s32 $0x2, s6;
	s1 =	sor.u32 s0, s1  }
0x7: {  	p0 =	sgt.u32 s0, $0x9;
	s31 =	sshrl.u32 s6, $0x1;
	s4 =	smul.u32 $0x4E2, s1  }
0x8: {  	s1 =	rddreg [dreg:$0x2];
	_ =	strace $0x80000047;
	s10 =	sadd.s32 s8, s5  }
0x9: {  	s5 =	sadd.s32 $0xB400, s7;
	s11 =	sshrl.u32 s11, $0x2;
	s14 =	sadd.s32 s8, s2  }
0xa: {  	s10 =	sshrl.u32 s10, $0x3;
	s12 =	sadd.s32 s11, s2;
	s11 =	sshll.u32 @!p0 s0, $0x6  }
0xb: {  	s14 =	sshrl.u32 @!p0 s14, $0x3;
	s9 =	sadd.s32 s4, s7;
	s4 =	sadd.s32 $0xB800, s7  }
0xc: {  	s7 =	sadd.s32 s10, s7;
	s10 =	ssub.s32 s6, s31;
	s11 =	sor.u32 @!p0 $0x1C01, s11  }
0xd: {  	s12 =	sshrl.u32 @!p0 s12, $0x3;
	s6 =	sadd.s32 $0x1600, s9;
	s7 =	sadd.s32 $0xBA00, s7  }
0xe: {  	s8 =	smax.u32 s10, $0x1;
	s9 =	simm.s32 $0x1;
	s10 =	simm.s32 $0x2710  }
.LBB2_1:
0xf: {  	[tilespmem:s3], [sflag:$0x1] =	stream.linear.gather [hbm4b:s6+s3], $0x2710, $0x38;
	[tilespmem:$0x2C08] =	vst v63  }
0x10: {  	_ =	swait.ge [sflag:s9], $0x2710  }
0x11: {  	[sflag:s9] =	ssyncset.done $0x0  }
0x12: {  	[sflag:s9] =	ssyncadd.s32 $0xFFFFD8F0  }
0x13: {  	[tilespmem:s10], [sflag:$0x1] =	stream.linear.gather [hbm4b:s4+s3], $0x280, $0x38;
	[tilespmem:$0x2C08] =	vst v63  }
0x14: {  	_ =	swait.ge [sflag:s9], $0x280  }
0x15: {  	[sflag:s9] =	ssyncset.done $0x0  }
0x16: {  	s16 =	simm.s32 @!p0 $0x1;
	[sflag:s9] =	ssyncadd.s32 $0xFFFFFD80  }
0x17: {  	[spmem:s12], [sflag:s11] =	dma.local @!p0 [hbm:s5], $0x3E8  }
0x18: {  	_ =	swait.ge @!p0 [sflag:s16], $0x3E8  }
0x19: {  	[sflag:s16] =	ssyncset.done @!p0 $0x0  }
0x1a: {  	[sflag:s16] =	ssyncadd.s32 @!p0 $0xFFFFFC18  }
0x1b: {  	s31 =	simm.s32 $0x0;
	[bflag:$0x0] =	sbarrier.arrive $0xFFFF  }
0x1c: {  	[spmem:s2] =	stream.indirect.scatter.add.f32 [tilespmem:s10], [sflag:$0x1], $0x1, s31, s13, $0xb8;
	[tilespmem:$0x2C08] =	vst v63  }
0x1d: {  	_ =	swait.ge [sflag:s9], $0x50  }
0x1e: {  	s16 =	simm.s32 $0x140;
	[sflag:s9] =	ssyncset.done $0x0  }
.LBB2_2:
0x1f: {  	s17 =	sshra.s32 s16, $0x2;
	[sflag:s9] =	ssyncadd.s32 $0xFFFFFFB0;
	p1 =	sne.s32 s16, $0x9B00  }
0x20: {  	[spmem:s2] =	stream.indirect.scatter.add.f32 [tilespmem:s10], [sflag:$0x1], $0x1, s17, s13, $0xb8;
	[tilespmem:$0x2C08] =	vst v63  }
.Ltmp0:
0x21: {  	_ = 	snop;
	(pc) =	sbr.rel @p1 .LBB2_2-.Ltmp0, $4  }
0x22: {  	_ = 	snop  }
0x23: {  	s16 =	sadd.s32 $0x140, s16  }
0x24: {  	_ =	swait.ge [sflag:s9], $0x50  }
0x25: {  	[sflag:s9] =	ssyncset.done $0x0  }
0x26: {  	s15 =	sadd.s32 $0x1, s15  }
0x27: {  	[sflag:s9] =	ssyncadd.s32 $0xFFFFFFB0;
	p1 =	sne.s32 s15, s8  }
.Ltmp1:
0x28: {  	s16 =	simm.s32 @!p0 $0x1;
	[bflag:$0x0] =	sbarrier.arrive $0xFFFF;
	(pc) =	sbr.rel @p1 .LBB2_1-.Ltmp1, $4  }
0x29: {  	[hbm:s7], [sflag:s11] =	dma.local @!p0 [spmem:s14], $0x3E8  }
0x2a: {  	_ =	swait.ge @!p0 [sflag:s16], $0x3E8  }
0x2b: {  	[sflag:s16] =	ssyncset.done @!p0 $0x0  }
0x2c: {  	[sflag:s16] =	ssyncadd.s32 @!p0 $0xFFFFFC18  }
0x2d: {  	_ =	sfence.sel $0x180000  }
0x2e: {  	[bflag:$0x0] =	sbarrier.arrive $0xFFFF  }
0x2f: {  	p0 =	sne.s32 s0, $0x0;
	_ =	strace $0x90000047  }
0x30: {  	s0 =	sadd.s32 @!p0 $0x100000, s1;
	[bflag:$0x2] =	sbarrier.arrive $0xFFFF  }
0x31: {  	[sflag:s0] =	ssyncadd.tile.s32 @!p0 $0x1;
	_ =	shalt  }
.Lfunc_end2:
_tile_overlayer_lowered:
.L_overlay_start_2:
0x32: {  	(tag) =	ssettag $0x2  }
0x33: {  	s0 =	rddreg [dreg:$0x0];
	s2 =	stileid.u32  }
0x34: {  	s1 =	rddreg [dreg:$0x1];
	p0 =	sne.s32 s2, $0x0  }
0x35: {  	s3 =	rddreg [dreg:$0x2];
	[bflag:$0x3] =	sbarrier.arrive $0xFFFF;
	s2 =	simm.s32 @!p0 $0x1C01  }
0x36: {  	[timem:s3], [sflag:s2] =	dma.local @!p0 [hbm:s0], s1  }
0x37: {  	s0 =	simm.s32 @!p0 $0x1  }
0x38: {  	_ =	swait.ge @!p0 [sflag:s0], s1  }
0x39: {  	s1 =	ssub.s32 @!p0 $0x0, s1;
	[sflag:s0] =	ssyncset.done @!p0 $0x0  }
0x3a: {  	[sflag:s0] =	ssyncadd.s32 @!p0 s1  }
0x3b: {  	[bflag:$0x3] =	sbarrier.arrive $0xFFFF  }
0x3c: {  	_ =	shalt  }

</sc_bundles>
